<compile_context>
chip_gen: v7x
topology: tpu7x:2x2x1
jax: 0.10.2.dev20260603
libtpu: 0.0.44.dev20260713+nightly
codegen_flags: <defaults>
</compile_context>

<pallas_src>
import functools

import jax
import jax.numpy as jnp
import numpy as np
from jax import lax
from jax.experimental import pallas as pl
from jax.experimental.pallas import tpu as pltpu
from jax.experimental.pallas import tpu_sc as plsc

NC = 2
NS = 16
EBLK = 64
RING = 3


def _sc_aggregate(x, ei, pad_src, pad_dst, n, e):
    d = x.shape[1]
    nw = NC * NS
    pad = pad_src.shape[0]
    nblk = (e + pad) // EBLK
    bpw = nblk // nw
    nk = bpw // RING
    epw = bpw * EBLK
    nreal = e // EBLK
    wm = nreal // bpw
    real_in_wm = e - wm * epw

    rows_per = (n // NS) & ~7
    tail_r0 = rows_per * NS
    tail_n = n - tail_r0

    mesh = plsc.VectorSubcoreMesh(core_axis_name="c", subcore_axis_name="s")

    @functools.partial(
        pl.kernel,
        mesh=mesh,
        out_type=jax.ShapeDtypeStruct((NC, n, d), jnp.float32),
        scratch_types=(
            [pltpu.VMEM((2, epw), jnp.int32)]
            + [pltpu.VMEM((EBLK, d), jnp.float32) for _ in range(RING)]
            + [pltpu.VMEM_SHARED((n + EBLK, d), jnp.float32)]
            + [pltpu.SemaphoreType.DMA for _ in range(2 * RING + 1)]
        ),
    )
    def sc_kernel(x_hbm, ei_hbm, ps_hbm, pd_hbm, out_hbm, sd_v,
                  m0, m1, m2, agg_sh,
                  g0, g1, g2, s0, s1, s2, sem_i):
        ms = (m0, m1, m2)
        gsem = (g0, g1, g2)
        ssem = (s0, s1, s2)
        c = lax.axis_index("c")
        s = lax.axis_index("s")
        w = c * NS + s

        @pl.when(w < wm)
        def _():
            pltpu.make_async_copy(ei_hbm.at[:, pl.ds(w * epw, epw)], sd_v,
                                  sem_i).start()
        @pl.when(w == wm)
        def _():
            if real_in_wm:
                pltpu.make_async_copy(
                    ei_hbm.at[:, pl.ds(wm * epw, real_in_wm)],
                    sd_v.at[:, pl.ds(0, real_in_wm)], sem_i).start()
            if epw > real_in_wm:
                pltpu.make_async_copy(
                    ps_hbm.at[pl.ds(0, epw - real_in_wm)],
                    sd_v.at[0, pl.ds(real_in_wm, epw - real_in_wm)],
                    sem_i).start()
                pltpu.make_async_copy(
                    pd_hbm.at[pl.ds(0, epw - real_in_wm)],
                    sd_v.at[1, pl.ds(real_in_wm, epw - real_in_wm)],
                    sem_i).start()
        @pl.when(w > wm)
        def _():
            pltpu.make_async_copy(ps_hbm.at[pl.ds(w * epw - e, epw)],
                                  sd_v.at[0], sem_i).start()
            pltpu.make_async_copy(pd_hbm.at[pl.ds(w * epw - e, epw)],
                                  sd_v.at[1], sem_i).start()

        pltpu.sync_copy(x_hbm.at[pl.ds(s * rows_per, rows_per)],
                        agg_sh.at[pl.ds(s * rows_per, rows_per)])
        if tail_n:
            @pl.when(s == 0)
            def _():
                pltpu.sync_copy(x_hbm.at[pl.ds(tail_r0, tail_n)],
                                agg_sh.at[pl.ds(tail_r0, tail_n)])
        pltpu.make_async_copy(ei_hbm.at[:, pl.ds(0, epw)], sd_v,
                              sem_i).wait()
        plsc.subcore_barrier()

        def gather(t, i):
            return pltpu.make_async_copy(
                x_hbm.at[sd_v.at[0, pl.ds(t * EBLK, EBLK)]], ms[i], gsem[i])

        def dstrow(t):
            return sd_v.at[1, pl.ds(t * EBLK, EBLK)]

        def scat_start(t, i):
            pltpu.async_copy(ms[i], agg_sh.at[dstrow(t)], ssem[i], add=True)

        def scat_wait(t, i):
            pltpu.make_async_copy(ms[i], agg_sh.at[dstrow(t)],
                                  ssem[i]).wait()

        gather(0, 0).start()
        gather(1, 1).start()

        @pl.loop(0, nk)
        def _(k):
            for i in range(RING):
                t = RING * k + i
                i2 = (i + 2) % RING
                tn = t + 2

                @pl.when(tn < bpw)
                def _():
                    @pl.when(t >= 1)
                    def _():
                        scat_wait(t - 1, i2)
                    gather(tn, i2).start()
                gather(t, i).wait()
                scat_start(t, i)

        for i in range(RING):
            t_last = bpw - RING + (i - bpw) % RING
            scat_wait(t_last, i)
        plsc.subcore_barrier()

        pltpu.sync_copy(agg_sh.at[pl.ds(s * rows_per, rows_per)],
                        out_hbm.at[c, pl.ds(s * rows_per, rows_per)])
        if tail_n:
            @pl.when(s == 0)
            def _():
                pltpu.sync_copy(agg_sh.at[pl.ds(tail_r0, tail_n)],
                                out_hbm.at[c, pl.ds(tail_r0, tail_n)])

    return sc_kernel(x, ei, pad_src, pad_dst)


def _tc_body(scale_ref, x_ref, p_ref, w1_ref, b1_ref, w2_ref, b2_ref,
             o_ref):
    h = x_ref[...] * scale_ref[0, 0] + p_ref[0] + p_ref[1]
    h = jnp.dot(h, w1_ref[...],
                preferred_element_type=jnp.float32) + b1_ref[...]
    h = jnp.maximum(h, 0.0)
    o_ref[...] = jnp.dot(h, w2_ref[...],
                         preferred_element_type=jnp.float32) + b2_ref[...]


def _tc_mlp(x, p, W1, b1, W2, b2, eps):
    n, d = x.shape
    blk = 2000
    grid = (n // blk,)
    scale = (eps - 1.0).reshape(1, 1)
    return pl.pallas_call(
        _tc_body,
        grid=grid,
        in_specs=[
            pl.BlockSpec((1, 1), lambda i: (0, 0)),
            pl.BlockSpec((blk, d), lambda i: (i, 0)),
            pl.BlockSpec((2, blk, d), lambda i: (0, i, 0)),
            pl.BlockSpec((d, d), lambda i: (0, 0)),
            pl.BlockSpec((1, d), lambda i: (0, 0)),
            pl.BlockSpec((d, d), lambda i: (0, 0)),
            pl.BlockSpec((1, d), lambda i: (0, 0)),
        ],
        out_specs=pl.BlockSpec((blk, d), lambda i: (i, 0)),
        out_shape=jax.ShapeDtypeStruct((n, d), jnp.float32),
    )(scale, x, p, W1, b1.reshape(1, d), W2, b2.reshape(1, d))


def kernel(x, edge_index, W1, b1, W2, b2, eps):
    n = x.shape[0]
    e = edge_index.shape[1]
    nw = NC * NS
    unit = np.lcm(RING * nw * EBLK, 128 * nw)
    e_pad = int(-(-e // unit) * unit)
    pad = e_pad - e
    iot = np.arange(pad, dtype=np.int32)
    pad_src = jnp.asarray(iot % n)
    pad_dst = jnp.asarray(n + (iot % EBLK))
    partials = _sc_aggregate(x, edge_index, pad_src, pad_dst, n, e)
    return _tc_mlp(x, partials, W1, b1, W2, b2, eps)

# --- scband reference (transcript-rebuilt; emitter-appended) ---
"""Pipeline reference for scband-ginlayer-59287728554193 (READ-ONLY COPY).

The authoritative reference and input builder live on the scoring server;
editing this copy changes nothing except your own understanding.
"""

import jax, jax.numpy as jnp
import numpy as np

N = 10000
E = 320000
D_IN = 128
D_OUT = 128


def setup_inputs(seed: int = 0) -> dict:
    key = jax.random.key(seed)
    k1, k2, k3, k4 = jax.random.split(key, 4)
    x = jax.random.normal(k1, (N, D_IN), dtype=jnp.float32)
    edge_index = jax.random.randint(k2, (2, E), 0, N, dtype=jnp.int32)
    W1 = jax.random.normal(k3, (D_IN, D_OUT), dtype=jnp.float32) * (1.0 / np.sqrt(D_IN))
    b1 = jnp.zeros((D_OUT,), dtype=jnp.float32)
    W2 = jax.random.normal(k4, (D_OUT, D_OUT), dtype=jnp.float32) * (1.0 / np.sqrt(D_OUT))
    b2 = jnp.zeros((D_OUT,), dtype=jnp.float32)
    eps = jnp.zeros((), dtype=jnp.float32)  # train_eps=True, init 0
    return {"x": x, "edge_index": edge_index, "W1": W1, "b1": b1, "W2": W2, "b2": b2, "eps": eps}


def reference(x, edge_index, W1, b1, W2, b2, eps):
    # GINConv: out = MLP((1 + eps) * x + sum_{j in N(i)} x_j)
    src = edge_index[0]
    dst = edge_index[1]
    msgs = jnp.take(x, src, axis=0)                     # gather: [E, D_IN]
    agg = jax.ops.segment_sum(msgs, dst, num_segments=x.shape[0])  # scatter-add: [N, D_IN]
    h = (1.0 + eps) * x + agg
    h = h @ W1 + b1
    h = jax.nn.relu(h)
    h = h @ W2 + b2
    return h

if __name__ == "__main__":
    import jax
    _d = setup_inputs()
    print(jax.jit(kernel)(*tuple(_d.values())))

</pallas_src>

<mosaic_0001>
#map = affine_map<(d0, d1) -> (0, 0)>
#map1 = affine_map<(d0, d1) -> (0)>
#map2 = affine_map<(d0, d1) -> (0, 0, 0)>
module attributes {stable_mosaic.version = 14 : i64} {
  func.func @sc_kernel(%arg0: i32, %arg1: i32, %arg2: memref<10000x128xf32, #tpu.memory_space<hbm>>, %arg3: memref<2x320000xi32, #tpu.memory_space<hbm>>, %arg4: memref<11776xi32, #tpu.memory_space<hbm>>, %arg5: memref<11776xi32, #tpu.memory_space<hbm>>, %arg6: memref<2x10000x128xf32, #tpu.memory_space<hbm>>, %arg7: memref<2x10368xi32, #tpu.memory_space<vmem>>, %arg8: memref<64x128xf32, #tpu.memory_space<vmem>>, %arg9: memref<64x128xf32, #tpu.memory_space<vmem>>, %arg10: memref<64x128xf32, #tpu.memory_space<vmem>>, %arg11: memref<10064x128xf32, #tpu.memory_space<vmem_shared>>, %arg12: memref<!tpu.dma_semaphore, #tpu.memory_space<semaphore_mem>>, %arg13: memref<!tpu.dma_semaphore, #tpu.memory_space<semaphore_mem>>, %arg14: memref<!tpu.dma_semaphore, #tpu.memory_space<semaphore_mem>>, %arg15: memref<!tpu.dma_semaphore, #tpu.memory_space<semaphore_mem>>, %arg16: memref<!tpu.dma_semaphore, #tpu.memory_space<semaphore_mem>>, %arg17: memref<!tpu.dma_semaphore, #tpu.memory_space<semaphore_mem>>, %arg18: memref<!tpu.dma_semaphore, #tpu.memory_space<semaphore_mem>>) attributes {dimension_semantics = [#tpu.dimension_semantics<core_parallel>, #tpu.dimension_semantics<subcore_parallel>], iteration_bounds = array<i64: 2, 16>, scalar_prefetch = 0 : i64, scratch_operands = 12 : i64, tpu.core_type = #tpu.core_type<sc_vector_subcore>, window_params = [{transform_indices = #map}, {transform_indices = #map}, {transform_indices = #map1}, {transform_indices = #map1}, {transform_indices = #map2}]} {
    %mul3A = arith.constant 16 : i32
    %mul3A_0 = arith.muli %arg0, %mul3A : i32
    %add3A = arith.addi %mul3A_0, %arg1 : i32
    %lt3A = arith.constant 30 : i32
    %lt3A_1 = arith.cmpi slt, %add3A, %lt3A : i32
    %convert_element_type3A = arith.extui %lt3A_1 : i1 to i32
    %cond3A = arith.constant 0 : i32
    %cond3A_2 = arith.cmpi ne, %convert_element_type3A, %cond3A : i32
    scf.if %cond3A_2 {
      %mul3A_73 = arith.constant 10368 : i32
      %mul3A_74 = arith.muli %add3A, %mul3A_73 : i32
      %dma_start3A_75 = arith.constant 0 : i32
      %dma_start3A_76 = tpu.memref_slice %arg3[%dma_start3A_75, %mul3A_74] : memref<2x320000xi32, #tpu.memory_space<hbm>> -> memref<2x10368xi32, #tpu.memory_space<hbm>>
      %dma_start3A_77 = arith.constant 0 : i32
      %dma_start3A_78 = tpu.memref_slice %arg3[%dma_start3A_77, %mul3A_74] : memref<2x320000xi32, #tpu.memory_space<hbm>> -> memref<2x10368xi32, #tpu.memory_space<hbm>>
      tpu.enqueue_dma source(%dma_start3A_78 : memref<2x10368xi32, #tpu.memory_space<hbm>>) target(%arg7 : memref<2x10368xi32, #tpu.memory_space<vmem>>) target_semaphore(%arg18 : memref<!tpu.dma_semaphore, #tpu.memory_space<semaphore_mem>>)
    } else {
    }
    %eq3A = arith.constant 30 : i32
    %eq3A_3 = arith.cmpi eq, %add3A, %eq3A : i32
    %convert_element_type3A_4 = arith.extui %eq3A_3 : i1 to i32
    %cond3A_5 = arith.constant 0 : i32
    %cond3A_6 = arith.cmpi ne, %convert_element_type3A_4, %cond3A_5 : i32
    scf.if %cond3A_6 {
      %dma_start3A_73 = arith.constant 0 : i32
      %dma_start3A_74 = arith.constant 0 : i32
      %dma_start3A_75 = tpu.memref_slice %arg7[%dma_start3A_73, %dma_start3A_74] : memref<2x10368xi32, #tpu.memory_space<vmem>> -> memref<2x8960xi32, #tpu.memory_space<vmem>>
      %dma_start3A_76 = arith.constant 0 : i32
      %dma_start3A_77 = arith.constant 311040 : i32
      %dma_start3A_78 = tpu.memref_slice %arg3[%dma_start3A_76, %dma_start3A_77] : memref<2x320000xi32, #tpu.memory_space<hbm>> -> memref<2x8960xi32, #tpu.memory_space<hbm>>
      %dma_start3A_79 = arith.constant 0 : i32
      %dma_start3A_80 = arith.constant 0 : i32
      %dma_start3A_81 = tpu.memref_slice %arg7[%dma_start3A_79, %dma_start3A_80] : memref<2x10368xi32, #tpu.memory_space<vmem>> -> memref<2x8960xi32, #tpu.memory_space<vmem>>
      %dma_start3A_82 = arith.constant 0 : i32
      %dma_start3A_83 = arith.constant 311040 : i32
      %dma_start3A_84 = tpu.memref_slice %arg3[%dma_start3A_82, %dma_start3A_83] : memref<2x320000xi32, #tpu.memory_space<hbm>> -> memref<2x8960xi32, #tpu.memory_space<hbm>>
      tpu.enqueue_dma source(%dma_start3A_84 : memref<2x8960xi32, #tpu.memory_space<hbm>>) target(%dma_start3A_81 : memref<2x8960xi32, #tpu.memory_space<vmem>>) target_semaphore(%arg18 : memref<!tpu.dma_semaphore, #tpu.memory_space<semaphore_mem>>)
      %dma_start3A_85 = arith.constant 0 : i32
      %dma_start3A_86 = arith.constant 8960 : i32
      %dma_start3A_87 = tpu.memref_slice %arg7[%dma_start3A_85, %dma_start3A_86] : memref<2x10368xi32, #tpu.memory_space<vmem>> -> memref<1x1408xi32, #tpu.memory_space<vmem>>
      %dma_start3A_88 = tpu.memref_squeeze %dma_start3A_87 : memref<1x1408xi32, #tpu.memory_space<vmem>> -> memref<1408xi32, #tpu.memory_space<vmem>>
      %dma_start3A_89 = arith.constant 0 : i32
      %dma_start3A_90 = tpu.memref_slice %arg4[%dma_start3A_89] : memref<11776xi32, #tpu.memory_space<hbm>> -> memref<1408xi32, #tpu.memory_space<hbm>>
      %dma_start3A_91 = arith.constant 8960 : i32
      %dma_start3A_92 = tpu.memref_slice %arg7[%dma_start3A_85, %dma_start3A_91] : memref<2x10368xi32, #tpu.memory_space<vmem>> -> memref<1x1408xi32, #tpu.memory_space<vmem>>
      %dma_start3A_93 = tpu.memref_squeeze %dma_start3A_92 : memref<1x1408xi32, #tpu.memory_space<vmem>> -> memref<1408xi32, #tpu.memory_space<vmem>>
      %dma_start3A_94 = arith.constant 0 : i32
      %dma_start3A_95 = tpu.memref_slice %arg4[%dma_start3A_94] : memref<11776xi32, #tpu.memory_space<hbm>> -> memref<1408xi32, #tpu.memory_space<hbm>>
      tpu.enqueue_dma source(%dma_start3A_95 : memref<1408xi32, #tpu.memory_space<hbm>>) target(%dma_start3A_93 : memref<1408xi32, #tpu.memory_space<vmem>>) target_semaphore(%arg18 : memref<!tpu.dma_semaphore, #tpu.memory_space<semaphore_mem>>)
      %dma_start3A_96 = arith.constant 1 : i32
      %dma_start3A_97 = arith.constant 8960 : i32
      %dma_start3A_98 = tpu.memref_slice %arg7[%dma_start3A_96, %dma_start3A_97] : memref<2x10368xi32, #tpu.memory_space<vmem>> -> memref<1x1408xi32, #tpu.memory_space<vmem>>
      %dma_start3A_99 = tpu.memref_squeeze %dma_start3A_98 : memref<1x1408xi32, #tpu.memory_space<vmem>> -> memref<1408xi32, #tpu.memory_space<vmem>>
      %dma_start3A_100 = arith.constant 0 : i32
      %dma_start3A_101 = tpu.memref_slice %arg5[%dma_start3A_100] : memref<11776xi32, #tpu.memory_space<hbm>> -> memref<1408xi32, #tpu.memory_space<hbm>>
      %dma_start3A_102 = arith.constant 8960 : i32
      %dma_start3A_103 = tpu.memref_slice %arg7[%dma_start3A_96, %dma_start3A_102] : memref<2x10368xi32, #tpu.memory_space<vmem>> -> memref<1x1408xi32, #tpu.memory_space<vmem>>
      %dma_start3A_104 = tpu.memref_squeeze %dma_start3A_103 : memref<1x1408xi32, #tpu.memory_space<vmem>> -> memref<1408xi32, #tpu.memory_space<vmem>>
      %dma_start3A_105 = arith.constant 0 : i32
      %dma_start3A_106 = tpu.memref_slice %arg5[%dma_start3A_105] : memref<11776xi32, #tpu.memory_space<hbm>> -> memref<1408xi32, #tpu.memory_space<hbm>>
      tpu.enqueue_dma source(%dma_start3A_106 : memref<1408xi32, #tpu.memory_space<hbm>>) target(%dma_start3A_104 : memref<1408xi32, #tpu.memory_space<vmem>>) target_semaphore(%arg18 : memref<!tpu.dma_semaphore, #tpu.memory_space<semaphore_mem>>)
    } else {
    }
    %gt3A = arith.constant 30 : i32
    %gt3A_7 = arith.cmpi sgt, %add3A, %gt3A : i32
    %convert_element_type3A_8 = arith.extui %gt3A_7 : i1 to i32
    %cond3A_9 = arith.constant 0 : i32
    %cond3A_10 = arith.cmpi ne, %convert_element_type3A_8, %cond3A_9 : i32
    scf.if %cond3A_10 {
      %mul3A_73 = arith.constant 10368 : i32
      %mul3A_74 = arith.muli %add3A, %mul3A_73 : i32
      %sub3A = arith.constant 320000 : i32
      %sub3A_75 = arith.subi %mul3A_74, %sub3A : i32
      %dma_start3A_76 = arith.constant 0 : i32
      %dma_start3A_77 = arith.constant 0 : i32
      %dma_start3A_78 = tpu.memref_slice %arg7[%dma_start3A_76, %dma_start3A_77] : memref<2x10368xi32, #tpu.memory_space<vmem>> -> memref<1x10368xi32, #tpu.memory_space<vmem>>
      %dma_start3A_79 = tpu.memref_squeeze %dma_start3A_78 : memref<1x10368xi32, #tpu.memory_space<vmem>> -> memref<10368xi32, #tpu.memory_space<vmem>>
      %dma_start3A_80 = tpu.memref_slice %arg4[%sub3A_75] : memref<11776xi32, #tpu.memory_space<hbm>> -> memref<10368xi32, #tpu.memory_space<hbm>>
      %dma_start3A_81 = arith.constant 0 : i32
      %dma_start3A_82 = tpu.memref_slice %arg7[%dma_start3A_76, %dma_start3A_81] : memref<2x10368xi32, #tpu.memory_space<vmem>> -> memref<1x10368xi32, #tpu.memory_space<vmem>>
      %dma_start3A_83 = tpu.memref_squeeze %dma_start3A_82 : memref<1x10368xi32, #tpu.memory_space<vmem>> -> memref<10368xi32, #tpu.memory_space<vmem>>
      %dma_start3A_84 = tpu.memref_slice %arg4[%sub3A_75] : memref<11776xi32, #tpu.memory_space<hbm>> -> memref<10368xi32, #tpu.memory_space<hbm>>
      tpu.enqueue_dma source(%dma_start3A_84 : memref<10368xi32, #tpu.memory_space<hbm>>) target(%dma_start3A_83 : memref<10368xi32, #tpu.memory_space<vmem>>) target_semaphore(%arg18 : memref<!tpu.dma_semaphore, #tpu.memory_space<semaphore_mem>>)
      %mul3A_85 = arith.constant 10368 : i32
      %mul3A_86 = arith.muli %add3A, %mul3A_85 : i32
      %sub3A_87 = arith.constant 320000 : i32
      %sub3A_88 = arith.subi %mul3A_86, %sub3A_87 : i32
      %dma_start3A_89 = arith.constant 1 : i32
      %dma_start3A_90 = arith.constant 0 : i32
      %dma_start3A_91 = tpu.memref_slice %arg7[%dma_start3A_89, %dma_start3A_90] : memref<2x10368xi32, #tpu.memory_space<vmem>> -> memref<1x10368xi32, #tpu.memory_space<vmem>>
      %dma_start3A_92 = tpu.memref_squeeze %dma_start3A_91 : memref<1x10368xi32, #tpu.memory_space<vmem>> -> memref<10368xi32, #tpu.memory_space<vmem>>
      %dma_start3A_93 = tpu.memref_slice %arg5[%sub3A_88] : memref<11776xi32, #tpu.memory_space<hbm>> -> memref<10368xi32, #tpu.memory_space<hbm>>
      %dma_start3A_94 = arith.constant 0 : i32
      %dma_start3A_95 = tpu.memref_slice %arg7[%dma_start3A_89, %dma_start3A_94] : memref<2x10368xi32, #tpu.memory_space<vmem>> -> memref<1x10368xi32, #tpu.memory_space<vmem>>
      %dma_start3A_96 = tpu.memref_squeeze %dma_start3A_95 : memref<1x10368xi32, #tpu.memory_space<vmem>> -> memref<10368xi32, #tpu.memory_space<vmem>>
      %dma_start3A_97 = tpu.memref_slice %arg5[%sub3A_88] : memref<11776xi32, #tpu.memory_space<hbm>> -> memref<10368xi32, #tpu.memory_space<hbm>>
      tpu.enqueue_dma source(%dma_start3A_97 : memref<10368xi32, #tpu.memory_space<hbm>>) target(%dma_start3A_96 : memref<10368xi32, #tpu.memory_space<vmem>>) target_semaphore(%arg18 : memref<!tpu.dma_semaphore, #tpu.memory_space<semaphore_mem>>)
    } else {
    }
    %mul3A_11 = arith.constant 624 : i32
    %mul3A_12 = arith.muli %arg1, %mul3A_11 : i32
    %mul3A_13 = arith.constant 624 : i32
    %mul3A_14 = arith.muli %arg1, %mul3A_13 : i32
    "tpu.region"() ({
      %run_scoped3A = tpu.sem_alloc : memref<!tpu.dma_semaphore, #tpu.memory_space<semaphore_mem>>
      %dma_start3A_73 = arith.constant 0 : i32
      %dma_start3A_74 = tpu.memref_slice %arg11[%mul3A_14, %dma_start3A_73] : memref<10064x128xf32, #tpu.memory_space<vmem_shared>> -> memref<624x128xf32, #tpu.memory_space<vmem_shared>>
      %dma_start3A_75 = arith.constant 0 : i32
      %dma_start3A_76 = tpu.memref_slice %arg2[%mul3A_12, %dma_start3A_75] : memref<10000x128xf32, #tpu.memory_space<hbm>> -> memref<624x128xf32, #tpu.memory_space<hbm>>
      tpu.enqueue_dma source(%dma_start3A_76 : memref<624x128xf32, #tpu.memory_space<hbm>>) target(%dma_start3A_74 : memref<624x128xf32, #tpu.memory_space<vmem_shared>>) target_semaphore(%run_scoped3A : memref<!tpu.dma_semaphore, #tpu.memory_space<semaphore_mem>>)
      %dma_wait3A_77 = arith.constant 0 : i32
      %dma_wait3A_78 = tpu.memref_slice %arg11[%mul3A_14, %dma_wait3A_77] : memref<10064x128xf32, #tpu.memory_space<vmem_shared>> -> memref<624x128xf32, #tpu.memory_space<vmem_shared>>
      %dma_wait3A_79 = arith.constant 0 : i32
      %dma_wait3A_80 = tpu.memref_slice %arg2[%mul3A_12, %dma_wait3A_79] : memref<10000x128xf32, #tpu.memory_space<hbm>> -> memref<624x128xf32, #tpu.memory_space<hbm>>
      tpu.wait_dma2 semaphore(%run_scoped3A : memref<!tpu.dma_semaphore, #tpu.memory_space<semaphore_mem>>) src(%dma_wait3A_80 : memref<624x128xf32, #tpu.memory_space<hbm>>) dst(%dma_wait3A_78 : memref<624x128xf32, #tpu.memory_space<vmem_shared>>)
      tpu.yield
    }) : () -> ()
    %eq3A_15 = arith.constant 0 : i32
    %eq3A_16 = arith.cmpi eq, %arg1, %eq3A_15 : i32
    %convert_element_type3A_17 = arith.extui %eq3A_16 : i1 to i32
    %cond3A_18 = arith.constant 0 : i32
    %cond3A_19 = arith.cmpi ne, %convert_element_type3A_17, %cond3A_18 : i32
    scf.if %cond3A_19 {
      "tpu.region"() ({
        %run_scoped3A = tpu.sem_alloc : memref<!tpu.dma_semaphore, #tpu.memory_space<semaphore_mem>>
        %dma_start3A_73 = arith.constant 9984 : i32
        %dma_start3A_74 = arith.constant 0 : i32
        %dma_start3A_75 = tpu.memref_slice %arg11[%dma_start3A_73, %dma_start3A_74] : memref<10064x128xf32, #tpu.memory_space<vmem_shared>> -> memref<16x128xf32, #tpu.memory_space<vmem_shared>>
        %dma_start3A_76 = arith.constant 9984 : i32
        %dma_start3A_77 = arith.constant 0 : i32
        %dma_start3A_78 = tpu.memref_slice %arg2[%dma_start3A_76, %dma_start3A_77] : memref<10000x128xf32, #tpu.memory_space<hbm>> -> memref<16x128xf32, #tpu.memory_space<hbm>>
        tpu.enqueue_dma source(%dma_start3A_78 : memref<16x128xf32, #tpu.memory_space<hbm>>) target(%dma_start3A_75 : memref<16x128xf32, #tpu.memory_space<vmem_shared>>) target_semaphore(%run_scoped3A : memref<!tpu.dma_semaphore, #tpu.memory_space<semaphore_mem>>)
        %dma_wait3A_79 = arith.constant 9984 : i32
        %dma_wait3A_80 = arith.constant 0 : i32
        %dma_wait3A_81 = tpu.memref_slice %arg11[%dma_wait3A_79, %dma_wait3A_80] : memref<10064x128xf32, #tpu.memory_space<vmem_shared>> -> memref<16x128xf32, #tpu.memory_space<vmem_shared>>
        %dma_wait3A_82 = arith.constant 9984 : i32
        %dma_wait3A_83 = arith.constant 0 : i32
        %dma_wait3A_84 = tpu.memref_slice %arg2[%dma_wait3A_82, %dma_wait3A_83] : memref<10000x128xf32, #tpu.memory_space<hbm>> -> memref<16x128xf32, #tpu.memory_space<hbm>>
        tpu.wait_dma2 semaphore(%run_scoped3A : memref<!tpu.dma_semaphore, #tpu.memory_space<semaphore_mem>>) src(%dma_wait3A_84 : memref<16x128xf32, #tpu.memory_space<hbm>>) dst(%dma_wait3A_81 : memref<16x128xf32, #tpu.memory_space<vmem_shared>>)
        tpu.yield
      }) : () -> ()
    } else {
    }
    %dma_wait3A = arith.constant 0 : i32
    %dma_wait3A_20 = arith.constant 0 : i32
    %dma_wait3A_21 = tpu.memref_slice %arg3[%dma_wait3A, %dma_wait3A_20] : memref<2x320000xi32, #tpu.memory_space<hbm>> -> memref<2x10368xi32, #tpu.memory_space<hbm>>
    %dma_wait3A_22 = arith.constant 0 : i32
    %dma_wait3A_23 = arith.constant 0 : i32
    %dma_wait3A_24 = tpu.memref_slice %arg3[%dma_wait3A_22, %dma_wait3A_23] : memref<2x320000xi32, #tpu.memory_space<hbm>> -> memref<2x10368xi32, #tpu.memory_space<hbm>>
    tpu.wait_dma2 semaphore(%arg18 : memref<!tpu.dma_semaphore, #tpu.memory_space<semaphore_mem>>) src(%dma_wait3A_24 : memref<2x10368xi32, #tpu.memory_space<hbm>>) dst(%arg7 : memref<2x10368xi32, #tpu.memory_space<vmem>>)
    %barrier3A = arith.constant 0 : index
    tpu.barrier barrier_id(%barrier3A)
    %dma_start3A = arith.constant 0 : i32
    %dma_start3A_25 = arith.constant 0 : i32
    %dma_start3A_26 = tpu.memref_slice %arg7[%dma_start3A, %dma_start3A_25] : memref<2x10368xi32, #tpu.memory_space<vmem>> -> memref<1x64xi32, #tpu.memory_space<vmem>>
    %dma_start3A_27 = tpu.memref_squeeze %dma_start3A_26 : memref<1x64xi32, #tpu.memory_space<vmem>> -> memref<64xi32, #tpu.memory_space<vmem>>
    %dma_start3A_28 = arith.constant 0 : i32
    %dma_start3A_29 = arith.constant 0 : i32
    %dma_start3A_30 = tpu.memref_slice %arg2[%dma_start3A_28, %dma_start3A_29] : memref<10000x128xf32, #tpu.memory_space<hbm>> -> memref<10000x128xf32, #tpu.memory_space<hbm>>
    tpu.enqueue_indirect_dma source(%dma_start3A_30 : memref<10000x128xf32, #tpu.memory_space<hbm>>) target(%arg8 : memref<64x128xf32, #tpu.memory_space<vmem>>) offsets(%dma_start3A_27 : memref<64xi32, #tpu.memory_space<vmem>>) semaphore(%arg12 : memref<!tpu.dma_semaphore, #tpu.memory_space<semaphore_mem>>)
    %dma_start3A_31 = arith.constant 0 : i32
    %dma_start3A_32 = arith.constant 64 : i32
    %dma_start3A_33 = tpu.memref_slice %arg7[%dma_start3A_31, %dma_start3A_32] : memref<2x10368xi32, #tpu.memory_space<vmem>> -> memref<1x64xi32, #tpu.memory_space<vmem>>
    %dma_start3A_34 = tpu.memref_squeeze %dma_start3A_33 : memref<1x64xi32, #tpu.memory_space<vmem>> -> memref<64xi32, #tpu.memory_space<vmem>>
    %dma_start3A_35 = arith.constant 0 : i32
    %dma_start3A_36 = arith.constant 0 : i32
    %dma_start3A_37 = tpu.memref_slice %arg2[%dma_start3A_35, %dma_start3A_36] : memref<10000x128xf32, #tpu.memory_space<hbm>> -> memref<10000x128xf32, #tpu.memory_space<hbm>>
    tpu.enqueue_indirect_dma source(%dma_start3A_37 : memref<10000x128xf32, #tpu.memory_space<hbm>>) target(%arg9 : memref<64x128xf32, #tpu.memory_space<vmem>>) offsets(%dma_start3A_34 : memref<64xi32, #tpu.memory_space<vmem>>) semaphore(%arg13 : memref<!tpu.dma_semaphore, #tpu.memory_space<semaphore_mem>>)
    %scan3A = arith.constant 0 : i32
    %scan3A_38 = arith.constant 54 : i32
    %scan3A_39 = arith.addi %scan3A, %scan3A_38 : i32
    %scan3A_40 = arith.constant 1 : i32
    scf.for %scan3A_73 = %scan3A to %scan3A_39 step %scan3A_40  : i32 {
      %mul3A_74 = arith.constant 1 : i32
      %mul3A_75 = arith.muli %scan3A_73, %mul3A_74 : i32
      %add3A_76 = arith.constant 0 : i32
      %add3A_77 = arith.addi %add3A_76, %mul3A_75 : i32
      %mul3A_78 = arith.constant 3 : i32
      %mul3A_79 = arith.muli %mul3A_78, %add3A_77 : i32
      %add3A_80 = arith.constant 0 : i32
      %add3A_81 = arith.addi %mul3A_79, %add3A_80 : i32
      %add3A_82 = arith.constant 2 : i32
      %add3A_83 = arith.addi %add3A_81, %add3A_82 : i32
      %lt3A_84 = arith.constant 162 : i32
      %lt3A_85 = arith.cmpi slt, %add3A_83, %lt3A_84 : i32
      %convert_element_type3A_86 = arith.extui %lt3A_85 : i1 to i32
      %cond3A_87 = arith.constant 0 : i32
      %cond3A_88 = arith.cmpi ne, %convert_element_type3A_86, %cond3A_87 : i32
      scf.if %cond3A_88 {
        %ge3A = arith.constant 1 : i32
        %ge3A_159 = arith.cmpi sge, %add3A_81, %ge3A : i32
        %convert_element_type3A_160 = arith.extui %ge3A_159 : i1 to i32
        %cond3A_161 = arith.constant 0 : i32
        %cond3A_162 = arith.cmpi ne, %convert_element_type3A_160, %cond3A_161 : i32
        scf.if %cond3A_162 {
          %sub3A = arith.constant 1 : i32
          %sub3A_171 = arith.subi %add3A_81, %sub3A : i32
          %mul3A_172 = arith.constant 64 : i32
          %mul3A_173 = arith.muli %sub3A_171, %mul3A_172 : i32
          %dma_wait3A_174 = arith.constant 1 : i32
          %dma_wait3A_175 = tpu.memref_slice %arg7[%dma_wait3A_174, %mul3A_173] : memref<2x10368xi32, #tpu.memory_space<vmem>> -> memref<1x64xi32, #tpu.memory_space<vmem>>
          %dma_wait3A_176 = tpu.memref_squeeze %dma_wait3A_175 : memref<1x64xi32, #tpu.memory_space<vmem>> -> memref<64xi32, #tpu.memory_space<vmem>>
          %dma_wait3A_177 = arith.constant 0 : i32
          %dma_wait3A_178 = arith.constant 0 : i32
          %dma_wait3A_179 = tpu.memref_slice %arg11[%dma_wait3A_177, %dma_wait3A_178] : memref<10064x128xf32, #tpu.memory_space<vmem_shared>> -> memref<10064x128xf32, #tpu.memory_space<vmem_shared>>
          tpu.wait_indirect_dma semaphore(%arg17 : memref<!tpu.dma_semaphore, #tpu.memory_space<semaphore_mem>>) src(%arg10 : memref<64x128xf32, #tpu.memory_space<vmem>>) dst(%dma_wait3A_179 : memref<10064x128xf32, #tpu.memory_space<vmem_shared>>)
        } else {
        }
        %mul3A_163 = arith.constant 64 : i32
        %mul3A_164 = arith.muli %add3A_83, %mul3A_163 : i32
        %dma_start3A_165 = arith.constant 0 : i32
        %dma_start3A_166 = tpu.memref_slice %arg7[%dma_start3A_165, %mul3A_164] : memref<2x10368xi32, #tpu.memory_space<vmem>> -> memref<1x64xi32, #tpu.memory_space<vmem>>
        %dma_start3A_167 = tpu.memref_squeeze %dma_start3A_166 : memref<1x64xi32, #tpu.memory_space<vmem>> -> memref<64xi32, #tpu.memory_space<vmem>>
        %dma_start3A_168 = arith.constant 0 : i32
        %dma_start3A_169 = arith.constant 0 : i32
        %dma_start3A_170 = tpu.memref_slice %arg2[%dma_start3A_168, %dma_start3A_169] : memref<10000x128xf32, #tpu.memory_space<hbm>> -> memref<10000x128xf32, #tpu.memory_space<hbm>>
        tpu.enqueue_indirect_dma source(%dma_start3A_170 : memref<10000x128xf32, #tpu.memory_space<hbm>>) target(%arg10 : memref<64x128xf32, #tpu.memory_space<vmem>>) offsets(%dma_start3A_167 : memref<64xi32, #tpu.memory_space<vmem>>) semaphore(%arg14 : memref<!tpu.dma_semaphore, #tpu.memory_space<semaphore_mem>>)
      } else {
      }
      %mul3A_89 = arith.constant 64 : i32
      %mul3A_90 = arith.muli %add3A_81, %mul3A_89 : i32
      %dma_wait3A_91 = arith.constant 0 : i32
      %dma_wait3A_92 = tpu.memref_slice %arg7[%dma_wait3A_91, %mul3A_90] : memref<2x10368xi32, #tpu.memory_space<vmem>> -> memref<1x64xi32, #tpu.memory_space<vmem>>
      %dma_wait3A_93 = tpu.memref_squeeze %dma_wait3A_92 : memref<1x64xi32, #tpu.memory_space<vmem>> -> memref<64xi32, #tpu.memory_space<vmem>>
      %dma_wait3A_94 = arith.constant 0 : i32
      %dma_wait3A_95 = arith.constant 0 : i32
      %dma_wait3A_96 = tpu.memref_slice %arg2[%dma_wait3A_94, %dma_wait3A_95] : memref<10000x128xf32, #tpu.memory_space<hbm>> -> memref<10000x128xf32, #tpu.memory_space<hbm>>
      tpu.wait_indirect_dma semaphore(%arg12 : memref<!tpu.dma_semaphore, #tpu.memory_space<semaphore_mem>>) src(%dma_wait3A_96 : memref<10000x128xf32, #tpu.memory_space<hbm>>) dst(%arg8 : memref<64x128xf32, #tpu.memory_space<vmem>>)
      %mul3A_97 = arith.constant 64 : i32
      %mul3A_98 = arith.muli %add3A_81, %mul3A_97 : i32
      %dma_start3A_99 = arith.constant 1 : i32
      %dma_start3A_100 = tpu.memref_slice %arg7[%dma_start3A_99, %mul3A_98] : memref<2x10368xi32, #tpu.memory_space<vmem>> -> memref<1x64xi32, #tpu.memory_space<vmem>>
      %dma_start3A_101 = tpu.memref_squeeze %dma_start3A_100 : memref<1x64xi32, #tpu.memory_space<vmem>> -> memref<64xi32, #tpu.memory_space<vmem>>
      %dma_start3A_102 = arith.constant 0 : i32
      %dma_start3A_103 = arith.constant 0 : i32
      %dma_start3A_104 = tpu.memref_slice %arg11[%dma_start3A_102, %dma_start3A_103] : memref<10064x128xf32, #tpu.memory_space<vmem_shared>> -> memref<10064x128xf32, #tpu.memory_space<vmem_shared>>
      tpu.enqueue_indirect_dma source(%arg8 : memref<64x128xf32, #tpu.memory_space<vmem>>) target(%dma_start3A_104 : memref<10064x128xf32, #tpu.memory_space<vmem_shared>>) offsets(%dma_start3A_101 : memref<64xi32, #tpu.memory_space<vmem>>) semaphore(%arg15 : memref<!tpu.dma_semaphore, #tpu.memory_space<semaphore_mem>>) {add = true}
      %mul3A_105 = arith.constant 3 : i32
      %mul3A_106 = arith.muli %mul3A_105, %add3A_77 : i32
      %add3A_107 = arith.constant 1 : i32
      %add3A_108 = arith.addi %mul3A_106, %add3A_107 : i32
      %add3A_109 = arith.constant 2 : i32
      %add3A_110 = arith.addi %add3A_108, %add3A_109 : i32
      %lt3A_111 = arith.constant 162 : i32
      %lt3A_112 = arith.cmpi slt, %add3A_110, %lt3A_111 : i32
      %convert_element_type3A_113 = arith.extui %lt3A_112 : i1 to i32
      %cond3A_114 = arith.constant 0 : i32
      %cond3A_115 = arith.cmpi ne, %convert_element_type3A_113, %cond3A_114 : i32
      scf.if %cond3A_115 {
        %ge3A = arith.constant 1 : i32
        %ge3A_159 = arith.cmpi sge, %add3A_108, %ge3A : i32
        %convert_element_type3A_160 = arith.extui %ge3A_159 : i1 to i32
        %cond3A_161 = arith.constant 0 : i32
        %cond3A_162 = arith.cmpi ne, %convert_element_type3A_160, %cond3A_161 : i32
        scf.if %cond3A_162 {
          %sub3A = arith.constant 1 : i32
          %sub3A_171 = arith.subi %add3A_108, %sub3A : i32
          %mul3A_172 = arith.constant 64 : i32
          %mul3A_173 = arith.muli %sub3A_171, %mul3A_172 : i32
          %dma_wait3A_174 = arith.constant 1 : i32
          %dma_wait3A_175 = tpu.memref_slice %arg7[%dma_wait3A_174, %mul3A_173] : memref<2x10368xi32, #tpu.memory_space<vmem>> -> memref<1x64xi32, #tpu.memory_space<vmem>>
          %dma_wait3A_176 = tpu.memref_squeeze %dma_wait3A_175 : memref<1x64xi32, #tpu.memory_space<vmem>> -> memref<64xi32, #tpu.memory_space<vmem>>
          %dma_wait3A_177 = arith.constant 0 : i32
          %dma_wait3A_178 = arith.constant 0 : i32
          %dma_wait3A_179 = tpu.memref_slice %arg11[%dma_wait3A_177, %dma_wait3A_178] : memref<10064x128xf32, #tpu.memory_space<vmem_shared>> -> memref<10064x128xf32, #tpu.memory_space<vmem_shared>>
          tpu.wait_indirect_dma semaphore(%arg15 : memref<!tpu.dma_semaphore, #tpu.memory_space<semaphore_mem>>) src(%arg8 : memref<64x128xf32, #tpu.memory_space<vmem>>) dst(%dma_wait3A_179 : memref<10064x128xf32, #tpu.memory_space<vmem_shared>>)
        } else {
        }
        %mul3A_163 = arith.constant 64 : i32
        %mul3A_164 = arith.muli %add3A_110, %mul3A_163 : i32
        %dma_start3A_165 = arith.constant 0 : i32
        %dma_start3A_166 = tpu.memref_slice %arg7[%dma_start3A_165, %mul3A_164] : memref<2x10368xi32, #tpu.memory_space<vmem>> -> memref<1x64xi32, #tpu.memory_space<vmem>>
        %dma_start3A_167 = tpu.memref_squeeze %dma_start3A_166 : memref<1x64xi32, #tpu.memory_space<vmem>> -> memref<64xi32, #tpu.memory_space<vmem>>
        %dma_start3A_168 = arith.constant 0 : i32
        %dma_start3A_169 = arith.constant 0 : i32
        %dma_start3A_170 = tpu.memref_slice %arg2[%dma_start3A_168, %dma_start3A_169] : memref<10000x128xf32, #tpu.memory_space<hbm>> -> memref<10000x128xf32, #tpu.memory_space<hbm>>
        tpu.enqueue_indirect_dma source(%dma_start3A_170 : memref<10000x128xf32, #tpu.memory_space<hbm>>) target(%arg8 : memref<64x128xf32, #tpu.memory_space<vmem>>) offsets(%dma_start3A_167 : memref<64xi32, #tpu.memory_space<vmem>>) semaphore(%arg12 : memref<!tpu.dma_semaphore, #tpu.memory_space<semaphore_mem>>)
      } else {
      }
      %mul3A_116 = arith.constant 64 : i32
      %mul3A_117 = arith.muli %add3A_108, %mul3A_116 : i32
      %dma_wait3A_118 = arith.constant 0 : i32
      %dma_wait3A_119 = tpu.memref_slice %arg7[%dma_wait3A_118, %mul3A_117] : memref<2x10368xi32, #tpu.memory_space<vmem>> -> memref<1x64xi32, #tpu.memory_space<vmem>>
      %dma_wait3A_120 = tpu.memref_squeeze %dma_wait3A_119 : memref<1x64xi32, #tpu.memory_space<vmem>> -> memref<64xi32, #tpu.memory_space<vmem>>
      %dma_wait3A_121 = arith.constant 0 : i32
      %dma_wait3A_122 = arith.constant 0 : i32
      %dma_wait3A_123 = tpu.memref_slice %arg2[%dma_wait3A_121, %dma_wait3A_122] : memref<10000x128xf32, #tpu.memory_space<hbm>> -> memref<10000x128xf32, #tpu.memory_space<hbm>>
      tpu.wait_indirect_dma semaphore(%arg13 : memref<!tpu.dma_semaphore, #tpu.memory_space<semaphore_mem>>) src(%dma_wait3A_123 : memref<10000x128xf32, #tpu.memory_space<hbm>>) dst(%arg9 : memref<64x128xf32, #tpu.memory_space<vmem>>)
      %mul3A_124 = arith.constant 64 : i32
      %mul3A_125 = arith.muli %add3A_108, %mul3A_124 : i32
      %dma_start3A_126 = arith.constant 1 : i32
      %dma_start3A_127 = tpu.memref_slice %arg7[%dma_start3A_126, %mul3A_125] : memref<2x10368xi32, #tpu.memory_space<vmem>> -> memref<1x64xi32, #tpu.memory_space<vmem>>
      %dma_start3A_128 = tpu.memref_squeeze %dma_start3A_127 : memref<1x64xi32, #tpu.memory_space<vmem>> -> memref<64xi32, #tpu.memory_space<vmem>>
      %dma_start3A_129 = arith.constant 0 : i32
      %dma_start3A_130 = arith.constant 0 : i32
      %dma_start3A_131 = tpu.memref_slice %arg11[%dma_start3A_129, %dma_start3A_130] : memref<10064x128xf32, #tpu.memory_space<vmem_shared>> -> memref<10064x128xf32, #tpu.memory_space<vmem_shared>>
      tpu.enqueue_indirect_dma source(%arg9 : memref<64x128xf32, #tpu.memory_space<vmem>>) target(%dma_start3A_131 : memref<10064x128xf32, #tpu.memory_space<vmem_shared>>) offsets(%dma_start3A_128 : memref<64xi32, #tpu.memory_space<vmem>>) semaphore(%arg16 : memref<!tpu.dma_semaphore, #tpu.memory_space<semaphore_mem>>) {add = true}
      %mul3A_132 = arith.constant 3 : i32
      %mul3A_133 = arith.muli %mul3A_132, %add3A_77 : i32
      %add3A_134 = arith.constant 2 : i32
      %add3A_135 = arith.addi %mul3A_133, %add3A_134 : i32
      %add3A_136 = arith.constant 2 : i32
      %add3A_137 = arith.addi %add3A_135, %add3A_136 : i32
      %lt3A_138 = arith.constant 162 : i32
      %lt3A_139 = arith.cmpi slt, %add3A_137, %lt3A_138 : i32
      %convert_element_type3A_140 = arith.extui %lt3A_139 : i1 to i32
      %cond3A_141 = arith.constant 0 : i32
      %cond3A_142 = arith.cmpi ne, %convert_element_type3A_140, %cond3A_141 : i32
      scf.if %cond3A_142 {
        %ge3A = arith.constant 1 : i32
        %ge3A_159 = arith.cmpi sge, %add3A_135, %ge3A : i32
        %convert_element_type3A_160 = arith.extui %ge3A_159 : i1 to i32
        %cond3A_161 = arith.constant 0 : i32
        %cond3A_162 = arith.cmpi ne, %convert_element_type3A_160, %cond3A_161 : i32
        scf.if %cond3A_162 {
          %sub3A = arith.constant 1 : i32
          %sub3A_171 = arith.subi %add3A_135, %sub3A : i32
          %mul3A_172 = arith.constant 64 : i32
          %mul3A_173 = arith.muli %sub3A_171, %mul3A_172 : i32
          %dma_wait3A_174 = arith.constant 1 : i32
          %dma_wait3A_175 = tpu.memref_slice %arg7[%dma_wait3A_174, %mul3A_173] : memref<2x10368xi32, #tpu.memory_space<vmem>> -> memref<1x64xi32, #tpu.memory_space<vmem>>
          %dma_wait3A_176 = tpu.memref_squeeze %dma_wait3A_175 : memref<1x64xi32, #tpu.memory_space<vmem>> -> memref<64xi32, #tpu.memory_space<vmem>>
          %dma_wait3A_177 = arith.constant 0 : i32
          %dma_wait3A_178 = arith.constant 0 : i32
          %dma_wait3A_179 = tpu.memref_slice %arg11[%dma_wait3A_177, %dma_wait3A_178] : memref<10064x128xf32, #tpu.memory_space<vmem_shared>> -> memref<10064x128xf32, #tpu.memory_space<vmem_shared>>
          tpu.wait_indirect_dma semaphore(%arg16 : memref<!tpu.dma_semaphore, #tpu.memory_space<semaphore_mem>>) src(%arg9 : memref<64x128xf32, #tpu.memory_space<vmem>>) dst(%dma_wait3A_179 : memref<10064x128xf32, #tpu.memory_space<vmem_shared>>)
        } else {
        }
        %mul3A_163 = arith.constant 64 : i32
        %mul3A_164 = arith.muli %add3A_137, %mul3A_163 : i32
        %dma_start3A_165 = arith.constant 0 : i32
        %dma_start3A_166 = tpu.memref_slice %arg7[%dma_start3A_165, %mul3A_164] : memref<2x10368xi32, #tpu.memory_space<vmem>> -> memref<1x64xi32, #tpu.memory_space<vmem>>
        %dma_start3A_167 = tpu.memref_squeeze %dma_start3A_166 : memref<1x64xi32, #tpu.memory_space<vmem>> -> memref<64xi32, #tpu.memory_space<vmem>>
        %dma_start3A_168 = arith.constant 0 : i32
        %dma_start3A_169 = arith.constant 0 : i32
        %dma_start3A_170 = tpu.memref_slice %arg2[%dma_start3A_168, %dma_start3A_169] : memref<10000x128xf32, #tpu.memory_space<hbm>> -> memref<10000x128xf32, #tpu.memory_space<hbm>>
        tpu.enqueue_indirect_dma source(%dma_start3A_170 : memref<10000x128xf32, #tpu.memory_space<hbm>>) target(%arg9 : memref<64x128xf32, #tpu.memory_space<vmem>>) offsets(%dma_start3A_167 : memref<64xi32, #tpu.memory_space<vmem>>) semaphore(%arg13 : memref<!tpu.dma_semaphore, #tpu.memory_space<semaphore_mem>>)
      } else {
      }
      %mul3A_143 = arith.constant 64 : i32
      %mul3A_144 = arith.muli %add3A_135, %mul3A_143 : i32
      %dma_wait3A_145 = arith.constant 0 : i32
      %dma_wait3A_146 = tpu.memref_slice %arg7[%dma_wait3A_145, %mul3A_144] : memref<2x10368xi32, #tpu.memory_space<vmem>> -> memref<1x64xi32, #tpu.memory_space<vmem>>
      %dma_wait3A_147 = tpu.memref_squeeze %dma_wait3A_146 : memref<1x64xi32, #tpu.memory_space<vmem>> -> memref<64xi32, #tpu.memory_space<vmem>>
      %dma_wait3A_148 = arith.constant 0 : i32
      %dma_wait3A_149 = arith.constant 0 : i32
      %dma_wait3A_150 = tpu.memref_slice %arg2[%dma_wait3A_148, %dma_wait3A_149] : memref<10000x128xf32, #tpu.memory_space<hbm>> -> memref<10000x128xf32, #tpu.memory_space<hbm>>
      tpu.wait_indirect_dma semaphore(%arg14 : memref<!tpu.dma_semaphore, #tpu.memory_space<semaphore_mem>>) src(%dma_wait3A_150 : memref<10000x128xf32, #tpu.memory_space<hbm>>) dst(%arg10 : memref<64x128xf32, #tpu.memory_space<vmem>>)
      %mul3A_151 = arith.constant 64 : i32
      %mul3A_152 = arith.muli %add3A_135, %mul3A_151 : i32
      %dma_start3A_153 = arith.constant 1 : i32
      %dma_start3A_154 = tpu.memref_slice %arg7[%dma_start3A_153, %mul3A_152] : memref<2x10368xi32, #tpu.memory_space<vmem>> -> memref<1x64xi32, #tpu.memory_space<vmem>>
      %dma_start3A_155 = tpu.memref_squeeze %dma_start3A_154 : memref<1x64xi32, #tpu.memory_space<vmem>> -> memref<64xi32, #tpu.memory_space<vmem>>
      %dma_start3A_156 = arith.constant 0 : i32
      %dma_start3A_157 = arith.constant 0 : i32
      %dma_start3A_158 = tpu.memref_slice %arg11[%dma_start3A_156, %dma_start3A_157] : memref<10064x128xf32, #tpu.memory_space<vmem_shared>> -> memref<10064x128xf32, #tpu.memory_space<vmem_shared>>
      tpu.enqueue_indirect_dma source(%arg10 : memref<64x128xf32, #tpu.memory_space<vmem>>) target(%dma_start3A_158 : memref<10064x128xf32, #tpu.memory_space<vmem_shared>>) offsets(%dma_start3A_155 : memref<64xi32, #tpu.memory_space<vmem>>) semaphore(%arg17 : memref<!tpu.dma_semaphore, #tpu.memory_space<semaphore_mem>>) {add = true}
    }
    %scan3A_41 = arith.constant 54 : i32
    %dma_wait3A_42 = arith.constant 1 : i32
    %dma_wait3A_43 = arith.constant 10176 : i32
    %dma_wait3A_44 = tpu.memref_slice %arg7[%dma_wait3A_42, %dma_wait3A_43] : memref<2x10368xi32, #tpu.memory_space<vmem>> -> memref<1x64xi32, #tpu.memory_space<vmem>>
    %dma_wait3A_45 = tpu.memref_squeeze %dma_wait3A_44 : memref<1x64xi32, #tpu.memory_space<vmem>> -> memref<64xi32, #tpu.memory_space<vmem>>
    %dma_wait3A_46 = arith.constant 0 : i32
    %dma_wait3A_47 = arith.constant 0 : i32
    %dma_wait3A_48 = tpu.memref_slice %arg11[%dma_wait3A_46, %dma_wait3A_47] : memref<10064x128xf32, #tpu.memory_space<vmem_shared>> -> memref<10064x128xf32, #tpu.memory_space<vmem_shared>>
    tpu.wait_indirect_dma semaphore(%arg15 : memref<!tpu.dma_semaphore, #tpu.memory_space<semaphore_mem>>) src(%arg8 : memref<64x128xf32, #tpu.memory_space<vmem>>) dst(%dma_wait3A_48 : memref<10064x128xf32, #tpu.memory_space<vmem_shared>>)
    %dma_wait3A_49 = arith.constant 1 : i32
    %dma_wait3A_50 = arith.constant 10240 : i32
    %dma_wait3A_51 = tpu.memref_slice %arg7[%dma_wait3A_49, %dma_wait3A_50] : memref<2x10368xi32, #tpu.memory_space<vmem>> -> memref<1x64xi32, #tpu.memory_space<vmem>>
    %dma_wait3A_52 = tpu.memref_squeeze %dma_wait3A_51 : memref<1x64xi32, #tpu.memory_space<vmem>> -> memref<64xi32, #tpu.memory_space<vmem>>
    %dma_wait3A_53 = arith.constant 0 : i32
    %dma_wait3A_54 = arith.constant 0 : i32
    %dma_wait3A_55 = tpu.memref_slice %arg11[%dma_wait3A_53, %dma_wait3A_54] : memref<10064x128xf32, #tpu.memory_space<vmem_shared>> -> memref<10064x128xf32, #tpu.memory_space<vmem_shared>>
    tpu.wait_indirect_dma semaphore(%arg16 : memref<!tpu.dma_semaphore, #tpu.memory_space<semaphore_mem>>) src(%arg9 : memref<64x128xf32, #tpu.memory_space<vmem>>) dst(%dma_wait3A_55 : memref<10064x128xf32, #tpu.memory_space<vmem_shared>>)
    %dma_wait3A_56 = arith.constant 1 : i32
    %dma_wait3A_57 = arith.constant 10304 : i32
    %dma_wait3A_58 = tpu.memref_slice %arg7[%dma_wait3A_56, %dma_wait3A_57] : memref<2x10368xi32, #tpu.memory_space<vmem>> -> memref<1x64xi32, #tpu.memory_space<vmem>>
    %dma_wait3A_59 = tpu.memref_squeeze %dma_wait3A_58 : memref<1x64xi32, #tpu.memory_space<vmem>> -> memref<64xi32, #tpu.memory_space<vmem>>
    %dma_wait3A_60 = arith.constant 0 : i32
    %dma_wait3A_61 = arith.constant 0 : i32
    %dma_wait3A_62 = tpu.memref_slice %arg11[%dma_wait3A_60, %dma_wait3A_61] : memref<10064x128xf32, #tpu.memory_space<vmem_shared>> -> memref<10064x128xf32, #tpu.memory_space<vmem_shared>>
    tpu.wait_indirect_dma semaphore(%arg17 : memref<!tpu.dma_semaphore, #tpu.memory_space<semaphore_mem>>) src(%arg10 : memref<64x128xf32, #tpu.memory_space<vmem>>) dst(%dma_wait3A_62 : memref<10064x128xf32, #tpu.memory_space<vmem_shared>>)
    %barrier3A_63 = arith.constant 0 : index
    tpu.barrier barrier_id(%barrier3A_63)
    %mul3A_64 = arith.constant 624 : i32
    %mul3A_65 = arith.muli %arg1, %mul3A_64 : i32
    %mul3A_66 = arith.constant 624 : i32
    %mul3A_67 = arith.muli %arg1, %mul3A_66 : i32
    "tpu.region"() ({
      %run_scoped3A = tpu.sem_alloc : memref<!tpu.dma_semaphore, #tpu.memory_space<semaphore_mem>>
      %dma_start3A_73 = arith.constant 0 : i32
      %dma_start3A_74 = tpu.memref_slice %arg6[%arg0, %mul3A_67, %dma_start3A_73] : memref<2x10000x128xf32, #tpu.memory_space<hbm>> -> memref<1x624x128xf32, #tpu.memory_space<hbm>>
      %dma_start3A_75 = tpu.memref_squeeze %dma_start3A_74 : memref<1x624x128xf32, #tpu.memory_space<hbm>> -> memref<624x128xf32, #tpu.memory_space<hbm>>
      %dma_start3A_76 = arith.constant 0 : i32
      %dma_start3A_77 = tpu.memref_slice %arg11[%mul3A_65, %dma_start3A_76] : memref<10064x128xf32, #tpu.memory_space<vmem_shared>> -> memref<624x128xf32, #tpu.memory_space<vmem_shared>>
      tpu.enqueue_dma source(%dma_start3A_77 : memref<624x128xf32, #tpu.memory_space<vmem_shared>>) target(%dma_start3A_75 : memref<624x128xf32, #tpu.memory_space<hbm>>) target_semaphore(%run_scoped3A : memref<!tpu.dma_semaphore, #tpu.memory_space<semaphore_mem>>)
      %dma_wait3A_78 = arith.constant 0 : i32
      %dma_wait3A_79 = tpu.memref_slice %arg6[%arg0, %mul3A_67, %dma_wait3A_78] : memref<2x10000x128xf32, #tpu.memory_space<hbm>> -> memref<1x624x128xf32, #tpu.memory_space<hbm>>
      %dma_wait3A_80 = tpu.memref_squeeze %dma_wait3A_79 : memref<1x624x128xf32, #tpu.memory_space<hbm>> -> memref<624x128xf32, #tpu.memory_space<hbm>>
      %dma_wait3A_81 = arith.constant 0 : i32
      %dma_wait3A_82 = tpu.memref_slice %arg11[%mul3A_65, %dma_wait3A_81] : memref<10064x128xf32, #tpu.memory_space<vmem_shared>> -> memref<624x128xf32, #tpu.memory_space<vmem_shared>>
      tpu.wait_dma2 semaphore(%run_scoped3A : memref<!tpu.dma_semaphore, #tpu.memory_space<semaphore_mem>>) src(%dma_wait3A_82 : memref<624x128xf32, #tpu.memory_space<vmem_shared>>) dst(%dma_wait3A_80 : memref<624x128xf32, #tpu.memory_space<hbm>>)
      tpu.yield
    }) : () -> ()
    %eq3A_68 = arith.constant 0 : i32
    %eq3A_69 = arith.cmpi eq, %arg1, %eq3A_68 : i32
    %convert_element_type3A_70 = arith.extui %eq3A_69 : i1 to i32
    %cond3A_71 = arith.constant 0 : i32
    %cond3A_72 = arith.cmpi ne, %convert_element_type3A_70, %cond3A_71 : i32
    scf.if %cond3A_72 {
      "tpu.region"() ({
        %run_scoped3A = tpu.sem_alloc : memref<!tpu.dma_semaphore, #tpu.memory_space<semaphore_mem>>
        %dma_start3A_73 = arith.constant 9984 : i32
        %dma_start3A_74 = arith.constant 0 : i32
        %dma_start3A_75 = tpu.memref_slice %arg6[%arg0, %dma_start3A_73, %dma_start3A_74] : memref<2x10000x128xf32, #tpu.memory_space<hbm>> -> memref<1x16x128xf32, #tpu.memory_space<hbm>>
        %dma_start3A_76 = tpu.memref_squeeze %dma_start3A_75 : memref<1x16x128xf32, #tpu.memory_space<hbm>> -> memref<16x128xf32, #tpu.memory_space<hbm>>
        %dma_start3A_77 = arith.constant 9984 : i32
        %dma_start3A_78 = arith.constant 0 : i32
        %dma_start3A_79 = tpu.memref_slice %arg11[%dma_start3A_77, %dma_start3A_78] : memref<10064x128xf32, #tpu.memory_space<vmem_shared>> -> memref<16x128xf32, #tpu.memory_space<vmem_shared>>
        tpu.enqueue_dma source(%dma_start3A_79 : memref<16x128xf32, #tpu.memory_space<vmem_shared>>) target(%dma_start3A_76 : memref<16x128xf32, #tpu.memory_space<hbm>>) target_semaphore(%run_scoped3A : memref<!tpu.dma_semaphore, #tpu.memory_space<semaphore_mem>>)
        %dma_wait3A_80 = arith.constant 9984 : i32
        %dma_wait3A_81 = arith.constant 0 : i32
        %dma_wait3A_82 = tpu.memref_slice %arg6[%arg0, %dma_wait3A_80, %dma_wait3A_81] : memref<2x10000x128xf32, #tpu.memory_space<hbm>> -> memref<1x16x128xf32, #tpu.memory_space<hbm>>
        %dma_wait3A_83 = tpu.memref_squeeze %dma_wait3A_82 : memref<1x16x128xf32, #tpu.memory_space<hbm>> -> memref<16x128xf32, #tpu.memory_space<hbm>>
        %dma_wait3A_84 = arith.constant 9984 : i32
        %dma_wait3A_85 = arith.constant 0 : i32
        %dma_wait3A_86 = tpu.memref_slice %arg11[%dma_wait3A_84, %dma_wait3A_85] : memref<10064x128xf32, #tpu.memory_space<vmem_shared>> -> memref<16x128xf32, #tpu.memory_space<vmem_shared>>
        tpu.wait_dma2 semaphore(%run_scoped3A : memref<!tpu.dma_semaphore, #tpu.memory_space<semaphore_mem>>) src(%dma_wait3A_86 : memref<16x128xf32, #tpu.memory_space<vmem_shared>>) dst(%dma_wait3A_83 : memref<16x128xf32, #tpu.memory_space<hbm>>)
        tpu.yield
      }) : () -> ()
    } else {
    }
    return
  }
}

module attributes {stable_mosaic.version = 14 : i64} {
  func.func @_tc_body(%arg0: i32, %arg1: memref<1x1xf32, #tpu.memory_space<vmem>>, %arg2: memref<2000x128xf32, #tpu.memory_space<vmem>>, %arg3: memref<2x2000x128xf32, #tpu.memory_space<vmem>>, %arg4: memref<128x128xf32, #tpu.memory_space<vmem>>, %arg5: memref<1x128xf32, #tpu.memory_space<vmem>>, %arg6: memref<128x128xf32, #tpu.memory_space<vmem>>, %arg7: memref<1x128xf32, #tpu.memory_space<vmem>>, %arg8: memref<2000x128xf32, #tpu.memory_space<vmem>>) attributes {dimension_semantics = [#tpu.dimension_semantics<arbitrary>], iteration_bounds = array<i64: 5>, scalar_prefetch = 0 : i64, scratch_operands = 0 : i64, tpu.core_type = #tpu.core_type<tc>, window_params = [{pipeline_mode = #tpu.pipeline_mode<synchronous>, transform_indices = @transform_0, window_bounds = array<i64: 1, 1>}, {transform_indices = @transform_1, window_bounds = array<i64: 2000, 128>}, {transform_indices = @transform_2, window_bounds = array<i64: 2, 2000, 128>}, {pipeline_mode = #tpu.pipeline_mode<synchronous>, transform_indices = @transform_3, window_bounds = array<i64: 128, 128>}, {pipeline_mode = #tpu.pipeline_mode<synchronous>, transform_indices = @transform_4, window_bounds = array<i64: 1, 128>}, {pipeline_mode = #tpu.pipeline_mode<synchronous>, transform_indices = @transform_5, window_bounds = array<i64: 128, 128>}, {pipeline_mode = #tpu.pipeline_mode<synchronous>, transform_indices = @transform_6, window_bounds = array<i64: 1, 128>}, {transform_indices = @transform_7, window_bounds = array<i64: 2000, 128>}]} {
    %get3A = arith.constant 0 : index
    %get3A_0 = arith.constant 0 : index
    %get3A_1 = vector.load %arg2[%get3A, %get3A_0] : memref<2000x128xf32, #tpu.memory_space<vmem>>, vector<2000x128xf32>
    %get3A_2 = arith.constant 0 : index
    %get3A_3 = arith.constant 0 : index
    %get3A_4 = vector.load %arg1[%get3A_2, %get3A_3] : memref<1x1xf32, #tpu.memory_space<vmem>>, vector<1x1xf32>
    %get3A_5 = vector.extract %get3A_4[0, 0] : f32 from vector<1x1xf32>
    %mul3A = vector.broadcast %get3A_5 : f32 to vector<2000x128xf32>
    %mul3A_6 = arith.mulf %get3A_1, %mul3A : vector<2000x128xf32>
    %get3A_7 = arith.constant 0 : index
    %get3A_8 = arith.constant 0 : index
    %get3A_9 = arith.constant 0 : index
    %get3A_10 = vector.load %arg3[%get3A_7, %get3A_8, %get3A_9] : memref<2x2000x128xf32, #tpu.memory_space<vmem>>, vector<1x2000x128xf32>
    %get3A_11 = vector.shape_cast %get3A_10 : vector<1x2000x128xf32> to vector<2000x128xf32>
    %add3A = arith.addf %mul3A_6, %get3A_11 : vector<2000x128xf32>
    %get3A_12 = arith.constant 1 : index
    %get3A_13 = arith.constant 0 : index
    %get3A_14 = arith.constant 0 : index
    %get3A_15 = vector.load %arg3[%get3A_12, %get3A_13, %get3A_14] : memref<2x2000x128xf32, #tpu.memory_space<vmem>>, vector<1x2000x128xf32>
    %get3A_16 = vector.shape_cast %get3A_15 : vector<1x2000x128xf32> to vector<2000x128xf32>
    %add3A_17 = arith.addf %add3A, %get3A_16 : vector<2000x128xf32>
    %get3A_18 = arith.constant 0 : index
    %get3A_19 = arith.constant 0 : index
    %get3A_20 = vector.load %arg4[%get3A_18, %get3A_19] : memref<128x128xf32, #tpu.memory_space<vmem>>, vector<128x128xf32>
    %dot_general3A = arith.constant dense<0.000000e+00> : vector<2000x128xf32>
    %dot_general3A_21 = tpu.matmul %add3A_17, %get3A_20, %dot_general3A {dimension_numbers = #tpu.dot_dimension_numbers<[1], [0], [0], [1], [0, 0, 1, 1], [], []>, transpose_lhs_hint = false} : vector<2000x128xf32>, vector<128x128xf32>, vector<2000x128xf32> -> vector<2000x128xf32>
    %get3A_22 = arith.constant 0 : index
    %get3A_23 = arith.constant 0 : index
    %get3A_24 = vector.load %arg5[%get3A_22, %get3A_23] : memref<1x128xf32, #tpu.memory_space<vmem>>, vector<1x128xf32>
    %add3A_25 = vector.broadcast %get3A_24 : vector<1x128xf32> to vector<2000x128xf32>
    %add3A_26 = arith.addf %dot_general3A_21, %add3A_25 : vector<2000x128xf32>
    %max3A = arith.constant 0.000000e+00 : f32
    %max3A_27 = vector.broadcast %max3A : f32 to vector<2000x128xf32>
    %max3A_28 = arith.maximumf %add3A_26, %max3A_27 : vector<2000x128xf32>
    %get3A_29 = arith.constant 0 : index
    %get3A_30 = arith.constant 0 : index
    %get3A_31 = vector.load %arg6[%get3A_29, %get3A_30] : memref<128x128xf32, #tpu.memory_space<vmem>>, vector<128x128xf32>
    %dot_general3A_32 = arith.constant dense<0.000000e+00> : vector<2000x128xf32>
    %dot_general3A_33 = tpu.matmul %max3A_28, %get3A_31, %dot_general3A_32 {dimension_numbers = #tpu.dot_dimension_numbers<[1], [0], [0], [1], [0, 0, 1, 1], [], []>, transpose_lhs_hint = false} : vector<2000x128xf32>, vector<128x128xf32>, vector<2000x128xf32> -> vector<2000x128xf32>
    %get3A_34 = arith.constant 0 : index
    %get3A_35 = arith.constant 0 : index
    %get3A_36 = vector.load %arg7[%get3A_34, %get3A_35] : memref<1x128xf32, #tpu.memory_space<vmem>>, vector<1x128xf32>
    %add3A_37 = vector.broadcast %get3A_36 : vector<1x128xf32> to vector<2000x128xf32>
    %add3A_38 = arith.addf %dot_general3A_33, %add3A_37 : vector<2000x128xf32>
    %swap3A = arith.constant 0 : index
    %swap3A_39 = arith.constant 0 : index
    %swap3A_40 = vector.load %arg8[%swap3A, %swap3A_39] : memref<2000x128xf32, #tpu.memory_space<vmem>>, vector<2000x128xf32>
    tpu.vector_store %arg8[%swap3A, %swap3A_39], %add3A_38 {strides = array<i32>} : memref<2000x128xf32, #tpu.memory_space<vmem>>, vector<2000x128xf32>,
    return
  }
  func.func @transform_0(%arg0: i32) -> (i32, i32) {
    %c0_i32 = arith.constant 0 : i32
    %c0_i32_0 = arith.constant 0 : i32
    %c0_i32_1 = arith.constant 0 : i32
    return %c0_i32, %c0_i32_0 : i32, i32
  }
  func.func @transform_1(%arg0: i32) -> (i32, i32) {
    %c0_i32 = arith.constant 0 : i32
    %c0_i32_0 = arith.constant 0 : i32
    return %arg0, %c0_i32 : i32, i32
  }
  func.func @transform_2(%arg0: i32) -> (i32, i32, i32) {
    %c0_i32 = arith.constant 0 : i32
    %c0_i32_0 = arith.constant 0 : i32
    %c0_i32_1 = arith.constant 0 : i32
    return %c0_i32, %arg0, %c0_i32_0 : i32, i32, i32
  }
  func.func @transform_3(%arg0: i32) -> (i32, i32) {
    %c0_i32 = arith.constant 0 : i32
    %c0_i32_0 = arith.constant 0 : i32
    %c0_i32_1 = arith.constant 0 : i32
    return %c0_i32, %c0_i32_0 : i32, i32
  }
  func.func @transform_4(%arg0: i32) -> (i32, i32) {
    %c0_i32 = arith.constant 0 : i32
    %c0_i32_0 = arith.constant 0 : i32
    %c0_i32_1 = arith.constant 0 : i32
    return %c0_i32, %c0_i32_0 : i32, i32
  }
  func.func @transform_5(%arg0: i32) -> (i32, i32) {
    %c0_i32 = arith.constant 0 : i32
    %c0_i32_0 = arith.constant 0 : i32
    %c0_i32_1 = arith.constant 0 : i32
    return %c0_i32, %c0_i32_0 : i32, i32
  }
  func.func @transform_6(%arg0: i32) -> (i32, i32) {
    %c0_i32 = arith.constant 0 : i32
    %c0_i32_0 = arith.constant 0 : i32
    %c0_i32_1 = arith.constant 0 : i32
    return %c0_i32, %c0_i32_0 : i32, i32
  }
  func.func @transform_7(%arg0: i32) -> (i32, i32) {
    %c0_i32 = arith.constant 0 : i32
    %c0_i32_0 = arith.constant 0 : i32
    return %arg0, %c0_i32 : i32, i32
  }
}

</mosaic_0001>

<sc_bundles>
// kernel: kernel.4.cloned.1.call-start
scs
__scs_entry_jumppad:
0x0: {  	(pc) =	sbr.rel $0x88, $3  }
0x1: {  	(tag) =	ssettag $0x0;
	lr =	simm.s32 $0x1  }
0x2: {  	[smem:$0x3F9A] =	sst lr;
	_ =	strace $0xD0000000  }
0x3: {  	_ = 	snop  }
0x4: {  	_ = 	snop  }
0x5: {  	_ = 	snop  }
0x6: {  	_ = 	snop  }
0x7: {  	_ = 	snop  }
__scs_overlays_trampoline_lowered:
0x8: {  	[smem:$0x3FA9] =	sst s0  }
0x9: {  	[smem:$0x3FAA] =	sst s1  }
0xa: {  	[smem:$0x3FAB] =	sst s2  }
0xb: {  	[smem:$0x3FAC] =	sst s3  }
0xc: {  	[smem:$0x3FAD] =	sst s4  }
0xd: {  	[smem:$0x3FAE] =	sst s5  }
0xe: {  	[smem:$0x3FAF] =	sst s6  }
0xf: {  	[smem:$0x3FB0] =	sst s7  }
0x10: {  	[smem:$0x3FB1] =	sst s8  }
0x11: {  	[smem:$0x3FB2] =	sst s9;
	s0 =	simm.s32 @!p0 $0x0  }
0x12: {  	s1 =	sld [smem:$0x3F98];
	s0 =	simm.s32 @p0 $0x1  }
0x13: {  	[smem:$0x3FB3] =	sst s0;
	s0 =	simm.s32 @!p1 $0x0  }
0x14: {  	s2 =	sld [smem:$0x3F97];
	s0 =	simm.s32 @p1 $0x1  }
0x15: {  	[smem:$0x3FB4] =	sst s0;
	s0 =	simm.s32 @!p2 $0x0  }
0x16: {  	s3 =	sld [smem:$0x3FDB];
	s0 =	simm.s32 @p2 $0x1  }
0x17: {  	s4 =	simm.s32 $0x1BF5;
	[smem:$0x3FB6] =	sst s0  }
0x18: {  	s0 =	sld [smem:$0x3F99];
	_ =	swait.ge [sflag:s4], $0x0  }
0x19: {  	s7 =	sld [smem:$0x3F9A]  }
0x1a: {  	s8 =	sadd.s32 $0xFFFFE003, lr  }
0x1b: {  	s9 =	sadd.s32 $0xFFFFFEF7, lr;
	s5 =	simm.s32 $0xFFFFFFFF;
	p2 =	slt.u32 s8, $0xFFFFF086  }
0x1c: {  	p1 =	slt.u32 s9, $0xF7A;
	s5 =	simm.s32 @!p2 $0x0  }
0x1d: {  	s5 =	simm.s32 @p1 $0x1;
	p0 =	seq.s32 s7, s2  }
0x1e: {  	s7 =	smul.u32 @!p0 $0xF7A, s2;
	p2 =	seq.s32 @!p0 s5, $0x0  }
0x1f: {  	s9 =	smul.u32 $0xF7A, s1;
	s8 =	simm.s32 @!p0 $0x1BF5;
	p2 =	por !p2, p0  }
0x20: {  	[sflag:s8] =	ssyncset.s32 @!p0 $0xFFFFF086;
	s6 =	sadd.s32 @!p0 s3, s7;
	s7 =	simm.s32 @!p0 $0x108  }
0x21: {  	s3 =	sadd.s32 s3, s9;
	s6 =	sadd.s32 @!p0 $0x88, s6;
	s7 =	simm.s32 @p2 $0x1082  }
0x22: {  	[simem:s7], [sflag:s8] =	dma.local @!p0 [hbm:s6], $0xF7A  }
0x23: {  	s9 =	sor.u32 $0xD0000000, s2;
	s6 =	simm.s32 $0x108;
	_ =	swait.ge @!p0 [sflag:s8], $0x0  }
0x24: {  	s3 =	sadd.s32 $0x88, s3;
	s6 =	simm.s32 @!p1 $0x1082;
	[sflag:s4] =	ssyncset.s32 $0xFFFFF086  }
0x25: {  	[simem:s6], [sflag:s4] =	dma.local [hbm:s3], $0xF7A  }
0x26: {  	[smem:$0x3F9A] =	sst s1;
	(tag) =	ssettag s2;
	_ =	strace s9  }
0x27: {  	s1 =	sld [smem:$0x3FAA]  }
0x28: {  	s2 =	sld [smem:$0x3FAB]  }
0x29: {  	s4 =	sld [smem:$0x3FAD]  }
0x2a: {  	p0 =	seq.s32 s5, $0x0;
	s5 =	sld [smem:$0x3FAE]  }
0x2b: {  	s6 =	sld [smem:$0x3FAF]  }
0x2c: {  	s7 =	sld [smem:$0x3FB0]  }
0x2d: {  	s3 =	simm.s32 $0x108;
	s8 =	sld [smem:$0x3FB1]  }
0x2e: {  	s3 =	simm.s32 @!p0 $0x1082;
	s9 =	sld [smem:$0x3FB2]  }
0x2f: {  	lr =	sadd.s32 s0, s3;
	s0 =	sld [smem:$0x3FA9]  }
0x30: {  	s3 =	sld [smem:$0x3FAC]  }
0x31: {  	[smem:$0x3FB5] =	sst s10  }
0x32: {  	s10 =	sld [smem:$0x3FB3];
	_ =	sdelay $0x3  }
0x33: {  	p0 =	seq.s32 s10, $0x1;
	s10 =	sld [smem:$0x3FB5];
	_ =	sdelay $0x3  }
0x34: {  	[smem:$0x3FB5] =	sst s10  }
0x35: {  	s10 =	sld [smem:$0x3FB4];
	_ =	sdelay $0x3  }
0x36: {  	p1 =	seq.s32 s10, $0x1;
	s10 =	sld [smem:$0x3FB5];
	_ =	sdelay $0x3  }
0x37: {  	[smem:$0x3FB5] =	sst s10  }
0x38: {  	s10 =	sld [smem:$0x3FB6]  }
0x39: {  	_ = 	snop;
	(pc) =	sbr.ind lr, $3  }
0x3a: {  	_ = 	snop  }
0x3b: {  	_ = 	snop  }
0x3c: {  	p2 =	seq.s32 s10, $0x1;
	s10 =	sld [smem:$0x3FB5]  }
0x3d: {  	_ =	shalt  }
0x3e: {  	_ =	shalt  }
0x3f: {  	_ =	shalt  }
0x40: {  	_ =	shalt  }
0x41: {  	_ =	shalt  }
0x42: {  	_ =	shalt  }
0x43: {  	_ =	shalt  }
0x44: {  	_ =	shalt  }
0x45: {  	_ =	shalt  }
0x46: {  	_ =	shalt  }
0x47: {  	_ =	shalt  }
0x48: {  	_ =	shalt  }
0x49: {  	_ =	shalt  }
0x4a: {  	_ =	shalt  }
0x4b: {  	_ =	shalt  }
0x4c: {  	_ =	shalt  }
0x4d: {  	_ =	shalt  }
0x4e: {  	_ =	shalt  }
0x4f: {  	_ =	shalt  }
0x50: {  	_ =	shalt  }
0x51: {  	_ =	shalt  }
0x52: {  	_ =	shalt  }
0x53: {  	_ =	shalt  }
0x54: {  	_ =	shalt  }
0x55: {  	_ =	shalt  }
0x56: {  	_ =	shalt  }
0x57: {  	_ =	shalt  }
0x58: {  	_ =	shalt  }
0x59: {  	_ =	shalt  }
0x5a: {  	_ =	shalt  }
0x5b: {  	_ =	shalt  }
0x5c: {  	_ =	shalt  }
0x5d: {  	_ =	shalt  }
0x5e: {  	_ =	shalt  }
0x5f: {  	_ =	shalt  }
0x60: {  	_ =	shalt  }
0x61: {  	_ =	shalt  }
0x62: {  	_ =	shalt  }
0x63: {  	_ =	shalt  }
0x64: {  	_ =	shalt  }
0x65: {  	_ =	shalt  }
0x66: {  	_ =	shalt  }
0x67: {  	_ =	shalt  }
0x68: {  	_ =	shalt  }
0x69: {  	_ =	shalt  }
0x6a: {  	_ =	shalt  }
0x6b: {  	_ =	shalt  }
0x6c: {  	_ =	shalt  }
0x6d: {  	_ =	shalt  }
0x6e: {  	_ =	shalt  }
0x6f: {  	_ =	shalt  }
0x70: {  	_ =	shalt  }
0x71: {  	_ =	shalt  }
0x72: {  	_ =	shalt  }
0x73: {  	_ =	shalt  }
0x74: {  	_ =	shalt  }
0x75: {  	_ =	shalt  }
0x76: {  	_ =	shalt  }
0x77: {  	_ =	shalt  }
0x78: {  	_ =	shalt  }
0x79: {  	_ =	shalt  }
0x7a: {  	_ =	shalt  }
0x7b: {  	_ =	shalt  }
0x7c: {  	_ =	shalt  }
0x7d: {  	_ =	shalt  }
0x7e: {  	_ =	shalt  }
0x7f: {  	_ =	shalt  }
0x80: {  	_ =	shalt  }
0x81: {  	_ =	shalt  }
0x82: {  	_ =	shalt  }
0x83: {  	_ =	shalt  }
0x84: {  	_ =	shalt  }
0x85: {  	_ =	shalt  }
0x86: {  	_ =	shalt  }
0x87: {  	_ =	shalt  }
.Lfunc_end0:
.L_simem_size_0:
called_computation_lowered:
.L_overlay_start_0:
0x88: {  	s2 =	sld [smem:$0x3FD9]  }
0x89: {  	s3 =	sld [smem:$0x3FFE];
	_ =	sdelay $0x1  }
0x8a: {  	s1 =	srdreg.scid  }
0x8b: {  	s0 =	sand.u32 $0x1, s1  }
0x8c: {  	s17 =	sshll.u32 s0, $0xA;
	s2 =	sadd.s32 s3, s2  }
0x8d: {  	s2 =	sadd.s32 s2, s17  }
0x8e: {  	[smem:$0x3FC1] =	sst s2  }
0x8f: {  	_ = 	snop  }
0x90: {  	s2 =	sld [smem:$0x3FC9]  }
0x91: {  	s18 =	sld [smem:$0x3FC8]  }
0x92: {  	s4 =	sld [smem:$0x3FD0];
	(tm) =	ssettm $0x1  }
0x93: {  	s5 =	sld [smem:$0x3FFB];
	_ =	sdelay $0x3  }
0x94: {  	_ =	strace s5  }
0x95: {  	s5 =	sld [smem:$0x3FFC];
	_ =	sdelay $0x3  }
0x96: {  	_ =	strace s5  }
0x97: {  	s5 =	sld [smem:$0x3FFD];
	_ =	sdelay $0x3  }
0x98: {  	_ =	strace s5  }
0x99: {  	_ =	strace $0x8FFFFFFF  }
0x9a: {  	s19 =	sld [smem:$0x3FDB];
	_ =	sdelay $0x1  }
0x9b: {  	s6 =	simm.s32 $_scs_section_size  }
0x9c: {  	s7 =	simm.s32 $_size__tile_overlayer_lowered;
	s8 =	simm.s32 $_tile_overlayer_lowered  }
0x9d: {  	s22 =	simm.s32 $0x1BFF;
	s21 =	sshll.u32 s8, $0x1;
	s5 =	sadd.s32 s6, s19  }
0x9e: {  	s9 =	simm.s32 $0x0;
	s20 =	sshll.u32 s7, $0x1;
	s7 =	sadd.s32 s21, s5  }
0x9f: {  	[timem:s9], [sflag:s22] =	dma.local [hbm:s7], s20  }
0xa0: {  	_ =	swait.ge [sflag:s22], s20  }
0xa1: {  	s6 =	ssub.s32 $0x0, s20;
	[sflag:s22] =	ssyncset.done $0x0  }
0xa2: {  	[sflag:s22] =	ssyncadd.s32 s6;
	_ =	sdelay $0x1  }
0xa3: {  	s23 =	simm.s32 $0x1B8B  }
0xa4: {  	_ =	swait.ge [sflag:s23], $0x1  }
0xa5: {  	[sflag:s23] =	ssyncset.done $0x0  }
0xa6: {  	s25 =	simm.s32 $0x1B8E;
	s24 =	sld [smem:$0x3FFE];
	[sflag:s23] =	ssyncadd.s32 $0xFFFFFFFF  }
0xa7: {  	s26 =	simm.s32 $execute0_lowered;
	[smem:$0x3FD2] =	sst s25  }
0xa8: {  	s7 =	sshll.u32 s26, $0x1;
	_ =	strace $0x80000046;
	[dreg:$0x1] =	wrdreg $0xFFFFFFFF  }
0xa9: {  	s28 =	simm.s32 $_size_execute0_lowered;
	s5 =	sadd.s32 s5, s7;
	[dreg:$0x0] =	wrdreg $0x0  }
0xaa: {  	s7 =	sshll.u32 s28, $0x1;
	[dreg:$0x2] =	wrdreg s5  }
0xab: {  	[dreg:$0x3] =	wrdreg s7  }
0xac: {  	[dreg:$0x4] =	wrdreg $0xC0  }
0xad: {  	_ =	task [dreg:s9], $0x5FFFF  }
0xae: {  	[dreg:$0x1] =	wrdreg $0xFFFFFFFF  }
0xaf: {  	[dreg:$0x0] =	wrdreg $0x60  }
0xb0: {  	[dreg:$0x2] =	wrdreg s2  }
0xb1: {  	[dreg:$0x3] =	wrdreg s18  }
0xb2: {  	[dreg:$0x4] =	wrdreg s4  }
0xb3: {  	[dreg:$0x5] =	wrdreg s24  }
0xb4: {  	[dreg:$0x6] =	wrdreg $0xB1000  }
0xb5: {  	[dreg:$0x7] =	wrdreg $0x9  }
0xb6: {  	_ =	task.clear_ibuf [dreg:s9], $0x8FFFF;
	_ =	strace $0x90000046  }
0xb7: {  	s29 =	simm.s32 $0x9;
	_ =	strace $0x80000048  }
0xb8: {  	_ =	swait.ge [sflag:s29], $0x1  }
0xb9: {  	[sflag:s29] =	ssyncadd.s32 $0xFFFFFFFF  }
0xba: {  	_ =	strace $0x90000048  }
0xbb: {  	_ =	sfence  }
0xbc: {  	s30 =	sld [smem:$0x0];
	_ =	sdelay $0x2  }
0xbd: {  	s31 =	sshll.u32 s1, $0xD;
	s1 =	sshrl.u32 s1, $0x2  }
0xbe: {  	s3 =	sand.u32 $0x4000, s31;
	s1 =	sadd.s32 s1, s30  }
0xbf: {  	s0 =	sor.u32 s3, s0;
	s1 =	sshll.u32 s1, $0x11  }
0xc0: {  	s0 =	sor.u32 s1, s0  }
0xc1: {  	s0 =	sadd.s32 $0x8F2B, s0  }
0xc2: {  	[sflag:s0] =	ssyncadd.remote.s32 $0x1  }
0xc3: {  	_ =	sfence.sel $0xFFFF  }
0xc4: {  	[dreg:$0x0] =	wrdreg $0xFFFFFFFF;
	(pc) =	sbr.abs _section_cstart, $3  }
0xc5: {  	[dreg:$0x1] =	wrdreg $0xFFFFFFFF  }
0xc6: {  	_ =	task.clear_ibuf [dreg:s9], $0x2FFFF;
	_ =	strace $0x9FFFFFFF  }
0xc7: {  	(tm) =	ssettm $0x7FFFFFFF  }
tec
execute0_lowered:
.L_overlay_start_1:
0x0: {  	(tag) =	ssettag $0x1  }
0x1: {  	s0 =	rddreg [dreg:$0x0]  }
0x2: {  	s1 =	rddreg [dreg:$0x1]  }
0x3: {  	s14 =	rddreg [dreg:$0x2]  }
0x4: {  	s2 =	rddreg [dreg:$0x3]  }
0x5: {  	s3 =	rddreg [dreg:$0x4]  }
0x6: {  	s4 =	srdreg.scid;
	s15 =	stileid.u32;
	s30 =	simm.s32 $0x4  }
0x7: {  	s31 =	simm.s32 $0x0;
	s5 =	sand.u32 $0x1, s4;
	s4 =	simm.s32 $0x0  }
0x8: {  	s8 =	sadd.s32 $0x1000, s2;
	s10 =	smul.u32 $0x4E000, s15;
	s11 =	sadd.s32 $0x1600, s2  }
0x9: {  	s13 =	smul.u32 $0x13800, s15;
	s16 =	sadd.s32 $0x12FC0, s1;
	[smem:$0x7FF] =	sst s4  }
0xa: {  	s25 =	sadd.s32 $0x1010, s2;
	_ =	strace $0x80000047;
	[dreg:$0x6] =	wrdreg s8  }
0xb: {  	s26 =	sadd.s32 $0x1020, s2;
	s29 =	sadd.s32 $0x1030, s2;
	[dreg:$0x7] =	wrdreg s16  }
0xc: {  	p0 =	sne.s32 s15, $0x0;
	s17 =	sadd.s32 $0x138000, s3;
	[dreg:$0xe] =	wrdreg s25  }
0xd: {  	s28 =	sadd.s32 $0x27000, s0;
	s18 =	sadd.s32 $0x10, s14;
	[dreg:$0xf] =	wrdreg s26  }
0xe: {  	s6 =	sshll.u32 s5, $0x4;
	s7 =	ssub.s32 $0x2, s5;
	[dreg:$0x10] =	wrdreg s29  }
0xf: {  	s5 =	smul.u32 $0x138800, s5;
	s6 =	sor.u32 s15, s6;
	[dreg:$0x18] =	wrdreg s17  }
0x10: {  	s20 =	sshrl.u32 s10, $0x2;
	s10 =	sadd.s32 $0x1060, s2;
	[dreg:$0x19] =	wrdreg s18  }
0x11: {  	s19 =	sshrl.u32 s7, $0x1;
	s16 =	sadd.s32 $0x10A0, s2;
	[dreg:$0x13] =	wrdreg s10  }
0x12: {  	s8 =	sadd.s32 $0x10B0, s2;
	s25 =	sadd.s32 $0x80, s14;
	[dreg:$0x17] =	wrdreg s16  }
0x13: {  	s22 =	sshrl.u32 s13, $0x3;
	s26 =	sadd.s32 $0x90, s14;
	[smem:$0x7FB] =	sst s25  }
0x14: {  	s29 =	sadd.s32 $0xA0, s14;
	s17 =	simm.s32 $0x3;
	[smem:$0x7FC] =	sst s26  }
0x15: {  	s21 =	sadd.s32 s13, s5;
	s13 =	sadd.s32 $0x1090, s2;
	[smem:$0x7FD] =	sst s29  }
0x16: {  	s12 =	ssub.s32 s7, s19;
	s19 =	sadd.s32 $0x20, s14;
	[dreg:$0x16] =	wrdreg s13  }
0x17: {  	s9 =	smul.u32 $0xA20, s6;
	s24 =	smax.u32 s12, $0x1;
	[dreg:$0x1a] =	wrdreg s19  }
0x18: {  	s18 =	simm.s32 $0x6;
	s12 =	sadd.s32 $0x1080, s2;
	[dreg:$0xd] =	wrdreg s24  }
0x19: {  	s5 =	sshrl.u32 s5, $0x3;
	s1 =	sadd.s32 s1, s9;
	[dreg:$0x15] =	wrdreg s12  }
0x1a: {  	s5 =	sadd.s32 s11, s5;
	s9 =	sadd.s32 s0, s22;
	[dreg:$0x8] =	wrdreg s1  }
0x1b: {  	s7 =	sadd.s32 $0xB0, s14;
	s23 =	sadd.s32 $0x27000, s5;
	[dreg:$0xa] =	wrdreg s9  }
0x1c: {  	p1 =	sgt.u32 s6, $0x1D;
	s5 =	sadd.s32 $0x1040, s2;
	[dreg:$0xc] =	wrdreg s23  }
0x1d: {  	p2 =	sne.s32 s6, $0x1E;
	s22 =	sadd.s32 $0x50, s14;
	[dreg:$0x11] =	wrdreg s5  }
0x1e: {  	s25 =	simm.s32 $0x1;
	s24 =	sadd.s32 $0x70, s14;
	[dreg:$0x1d] =	wrdreg s22  }
0x1f: {  	s19 =	simm.s32 $0x40;
	s1 =	sadd.s32 s20, s3;
	[dreg:$0x1f] =	wrdreg s24  }
0x20: {  	s9 =	sadd.s32 $0x1050, s2;
	s20 =	sadd.s32 $0x30, s14;
	[dreg:$0x9] =	wrdreg s1  }
0x21: {  	s23 =	sadd.s32 $0x60, s14;
	s22 =	simm.s32 $0x5100;
	[dreg:$0x12] =	wrdreg s9  }
0x22: {  	s24 =	simm.s32 $0x9100;
	s1 =	sshrl.u32 s21, $0x3;
	[dreg:$0x1b] =	wrdreg s20  }
0x23: {  	s21 =	sadd.s32 $0x40, s14;
	[dreg:$0x1e] =	wrdreg s23;
	s20 =	simm.s32 $0x8  }
0x24: {  	s23 =	simm.s32 $0x7100;
	s1 =	sadd.s32 s11, s1;
	[dreg:$0x1c] =	wrdreg s21  }
0x25: {  	s9 =	simm.s32 $0x5;
	s11 =	sadd.s32 $0x1070, s2;
	[dreg:$0xb] =	wrdreg s1  }
0x26: {  	s21 =	simm.s32 $0x7;
	[dreg:$0x14] =	wrdreg s11;
	s1 =	simm.s32 $0x2  }
.LBB2_1:
.Ltmp0:
0x27: {  	(pc) =	sbr.rel @p1 .LBB2_3-.Ltmp0, $1  }
0x28: {  	_ =	sdelay $0x3  }
.Ltmp1:
0x29: {  	(pc) =	sbr.rel .LBB2_10-.Ltmp1, $3  }
0x2a: {  	_ =	sdelay $0x1  }
0x2b: {  	s2 =	rddreg [dreg:$0x8]  }
0x2c: {  	[tilespmem:s4], [sflag:$0x7] =	stream.linear.gather [hbm4b:s2+s4], $0x5100, $0x38;
	[tilespmem:$0x1EB80] =	vst v63  }
.LBB2_3:
.Ltmp2:
0x2d: {  	(pc) =	sbr.rel @p2 .LBB2_5-.Ltmp2, $1  }
0x2e: {  	_ =	sdelay $0x3  }
0x2f: {  	s2 =	rddreg [dreg:$0x7]  }
0x30: {  	s16 =	rddreg [dreg:$0x2]  }
0x31: {  	[tilespmem:s4], [sflag:$0x7] =	stream.linear.gather [hbm4b:s2+s4], $0x4600, $0x38;
	[tilespmem:$0x1EB80] =	vst v63  }
0x32: {  	s5 =	simm.s32 $0x4600;
	s26 =	rddreg [dreg:$0x19]  }
0x33: {  	[tilespmem:s5], [sflag:$0x7] =	stream.linear.gather [hbm4b:s16+s4], $0x80, $0x38;
	[tilespmem:$0x1EB80] =	vst v63  }
0x34: {  	s29 =	simm.s32 $0x4700;
	s6 =	rddreg [dreg:$0x1a]  }
0x35: {  	[tilespmem:s29], [sflag:$0x7] =	stream.linear.gather [hbm4b:s26+s4], $0x80, $0x38;
	[tilespmem:$0x1EB80] =	vst v63  }
0x36: {  	s10 =	simm.s32 $0x4800;
	s11 =	rddreg [dreg:$0x1b]  }
0x37: {  	[tilespmem:s10], [sflag:$0x7] =	stream.linear.gather [hbm4b:s6+s4], $0x80, $0x38;
	[tilespmem:$0x1EB80] =	vst v63  }
0x38: {  	s12 =	simm.s32 $0x4900;
	s13 =	rddreg [dreg:$0x1c]  }
0x39: {  	[tilespmem:s12], [sflag:$0x7] =	stream.linear.gather [hbm4b:s11+s4], $0x80, $0x38;
	[tilespmem:$0x1EB80] =	vst v63  }
0x3a: {  	s14 =	simm.s32 $0x4A00;
	s15 =	rddreg [dreg:$0x1d]  }
0x3b: {  	[tilespmem:s14], [sflag:$0x7] =	stream.linear.gather [hbm4b:s13+s4], $0x80, $0x38;
	[tilespmem:$0x1EB80] =	vst v63  }
0x3c: {  	s16 =	simm.s32 $0x4B00;
	s26 =	rddreg [dreg:$0x1e]  }
0x3d: {  	[tilespmem:s16], [sflag:$0x7] =	stream.linear.gather [hbm4b:s15+s4], $0x80, $0x38;
	[tilespmem:$0x1EB80] =	vst v63  }
0x3e: {  	s29 =	simm.s32 $0x4C00;
	s6 =	rddreg [dreg:$0x1f]  }
0x3f: {  	[tilespmem:s29], [sflag:$0x7] =	stream.linear.gather [hbm4b:s26+s4], $0x80, $0x38;
	[tilespmem:$0x1EB80] =	vst v63  }
0x40: {  	s10 =	simm.s32 $0x4D00;
	s11 =	sld [smem:$0x7FB]  }
0x41: {  	[tilespmem:s10], [sflag:$0x7] =	stream.linear.gather [hbm4b:s6+s4], $0x80, $0x38;
	[tilespmem:$0x1EB80] =	vst v63  }
0x42: {  	s12 =	simm.s32 $0x4E00;
	s13 =	sld [smem:$0x7FC]  }
0x43: {  	[tilespmem:s12], [sflag:$0x7] =	stream.linear.gather [hbm4b:s11+s4], $0x80, $0x38;
	[tilespmem:$0x1EB80] =	vst v63  }
0x44: {  	s14 =	simm.s32 $0x4F00;
	s15 =	sld [smem:$0x7FD]  }
0x45: {  	[tilespmem:s14], [sflag:$0x7] =	stream.linear.gather [hbm4b:s13+s4], $0x80, $0x38;
	[tilespmem:$0x1EB80] =	vst v63  }
0x46: {  	s16 =	simm.s32 $0x5000  }
0x47: {  	[tilespmem:s16], [sflag:$0x7] =	stream.linear.gather [hbm4b:s15+s4], $0x80, $0x38;
	[tilespmem:$0x1EB80] =	vst v63  }
0x48: {  	s26 =	rddreg [dreg:$0x6];
	s29 =	simm.s32 $0x4680  }
0x49: {  	[tilespmem:s29], [sflag:$0x7] =	stream.linear.gather [hbm4b:s26+s4], $0x80, $0x38;
	[tilespmem:$0x1EB80] =	vst v63  }
0x4a: {  	s6 =	rddreg [dreg:$0xe];
	s10 =	simm.s32 $0x4780  }
0x4b: {  	[tilespmem:s10], [sflag:$0x7] =	stream.linear.gather [hbm4b:s6+s4], $0x80, $0x38;
	[tilespmem:$0x1EB80] =	vst v63  }
0x4c: {  	s11 =	rddreg [dreg:$0xf];
	s12 =	simm.s32 $0x4880  }
0x4d: {  	[tilespmem:s12], [sflag:$0x7] =	stream.linear.gather [hbm4b:s11+s4], $0x80, $0x38;
	[tilespmem:$0x1EB80] =	vst v63  }
0x4e: {  	s13 =	rddreg [dreg:$0x10];
	s14 =	simm.s32 $0x4980  }
0x4f: {  	[tilespmem:s14], [sflag:$0x7] =	stream.linear.gather [hbm4b:s13+s4], $0x80, $0x38;
	[tilespmem:$0x1EB80] =	vst v63  }
0x50: {  	s15 =	rddreg [dreg:$0x11];
	s16 =	simm.s32 $0x4A80  }
0x51: {  	[tilespmem:s16], [sflag:$0x7] =	stream.linear.gather [hbm4b:s15+s4], $0x80, $0x38;
	[tilespmem:$0x1EB80] =	vst v63  }
0x52: {  	s26 =	rddreg [dreg:$0x12];
	s29 =	simm.s32 $0x4B80  }
0x53: {  	[tilespmem:s29], [sflag:$0x7] =	stream.linear.gather [hbm4b:s26+s4], $0x80, $0x38;
	[tilespmem:$0x1EB80] =	vst v63  }
0x54: {  	s6 =	rddreg [dreg:$0x13];
	s10 =	simm.s32 $0x4C80  }
0x55: {  	[tilespmem:s10], [sflag:$0x7] =	stream.linear.gather [hbm4b:s6+s4], $0x80, $0x38;
	[tilespmem:$0x1EB80] =	vst v63  }
0x56: {  	s11 =	rddreg [dreg:$0x14];
	s12 =	simm.s32 $0x4D80  }
0x57: {  	[tilespmem:s12], [sflag:$0x7] =	stream.linear.gather [hbm4b:s11+s4], $0x80, $0x38;
	[tilespmem:$0x1EB80] =	vst v63  }
0x58: {  	s13 =	rddreg [dreg:$0x15];
	s14 =	simm.s32 $0x4E80  }
0x59: {  	[tilespmem:s14], [sflag:$0x7] =	stream.linear.gather [hbm4b:s13+s4], $0x80, $0x38;
	[tilespmem:$0x1EB80] =	vst v63  }
.Ltmp3:
0x5a: {  	_ = 	snop;
	(pc) =	sbr.rel .LBB2_10-.Ltmp3, $4  }
0x5b: {  	s15 =	rddreg [dreg:$0x16];
	s16 =	simm.s32 $0x4F80  }
0x5c: {  	[tilespmem:s16], [sflag:$0x7] =	stream.linear.gather [hbm4b:s15+s4], $0x80, $0x38;
	[tilespmem:$0x1EB80] =	vst v63  }
0x5d: {  	s26 =	rddreg [dreg:$0x17];
	s29 =	simm.s32 $0x5080  }
0x5e: {  	[tilespmem:s29], [sflag:$0x7] =	stream.linear.gather [hbm4b:s26+s4], $0x80, $0x38;
	[tilespmem:$0x1EB80] =	vst v63  }
.LBB2_5:
0x5f: {  	s2 =	simm.s32 $0x0  }
0x60: {  	s5 =	simm.s32 $0x10;
	s10 =	sadd.s32 $0x0, s7;
	s6 =	simm.s32 $0x100  }
.LBB2_6:
0x61: {  	[tilespmem:s2], [sflag:$0x7] =	stream.linear.gather [hbm4b:s10+s4], $0x80, $0x38;
	[tilespmem:$0x1EB80] =	vst v63  }
0x62: {  	s10 =	smov.u32 s5;
	s2 =	smov.u32 s6;
	p3 =	sne.s32 s5, $0x500  }
.Ltmp4:
0x63: {  	s5 =	sadd.s32 $0x10, s5;
	(pc) =	sbr.rel @p3 .LBB2_6-.Ltmp4, $2  }
0x64: {  	_ =	sdelay $0x2  }
0x65: {  	s6 =	sadd.s32 $0x100, s6;
	s10 =	sadd.s32 s10, s7  }
0x66: {  	[tilespmem:s2], [sflag:$0x7] =	stream.linear.gather [hbm4b:s10+s4], $0x80, $0x38;
	[tilespmem:$0x1EB80] =	vst v63  }
0x67: {  	s2 =	simm.s32 $0x80  }
0x68: {  	s5 =	simm.s32 $0x10;
	s10 =	sadd.s32 $0x0, s8;
	s6 =	simm.s32 $0x180  }
.LBB2_8:
0x69: {  	[tilespmem:s2], [sflag:$0x7] =	stream.linear.gather [hbm4b:s10+s4], $0x80, $0x38;
	[tilespmem:$0x1EB80] =	vst v63  }
0x6a: {  	s10 =	smov.u32 s5;
	s2 =	smov.u32 s6;
	p3 =	sne.s32 s5, $0x500  }
.Ltmp5:
0x6b: {  	s5 =	sadd.s32 $0x10, s5;
	(pc) =	sbr.rel @p3 .LBB2_8-.Ltmp5, $2  }
0x6c: {  	_ =	sdelay $0x2  }
0x6d: {  	s6 =	sadd.s32 $0x100, s6;
	s10 =	sadd.s32 s10, s8  }
0x6e: {  	[tilespmem:s2], [sflag:$0x7] =	stream.linear.gather [hbm4b:s10+s4], $0x80, $0x38;
	[tilespmem:$0x1EB80] =	vst v63  }
.LBB2_10:
0x6f: {  	s2 =	stileid.u32  }
0x70: {  	s12 =	rddreg [dreg:$0x9];
	s2 =	sshll.u32 s2, $0x6  }
0x71: {  	s13 =	rddreg [dreg:$0xa];
	s16 =	sshrl.u32 s12, $0x3;
	s6 =	sor.u32 $0x1C08, s2  }
0x72: {  	[spmem:s16], [sflag:s6] =	dma.local [hbm:s13], $0x2700  }
0x73: {  	_ =	swait.ge [sflag:s20], $0x2700  }
0x74: {  	[sflag:s20] =	ssyncset.done $0x0;
	s2 =	rddreg [dreg:$0x18]  }
0x75: {  	[sflag:s20] =	ssyncadd.s32 $0xFFFFD900;
	s10 =	sshrl.u32 @!p0 s2, $0x3;
	s2 =	simm.s32 @!p0 $0x8  }
0x76: {  	[spmem:s10], [sflag:s6] =	dma.local @!p0 [hbm:s28], $0x100  }
0x77: {  	_ =	swait.ge @!p0 [sflag:s2], $0x100  }
0x78: {  	[sflag:s2] =	ssyncset.done @!p0 $0x0  }
0x79: {  	[sflag:s2] =	ssyncadd.s32 @!p0 $0xFFFFFF00  }
0x7a: {  	_ =	swait.ge [sflag:s21], $0x5100  }
0x7b: {  	[sflag:s21] =	ssyncset.done $0x0  }
0x7c: {  	[sflag:s21] =	ssyncadd.s32 $0xFFFFAF00  }
0x7d: {  	s14 =	simm.s32 $0x40;
	[bflag:$0x0] =	sbarrier.arrive $0xFFFF  }
0x7e: {  	[tilespmem:s22], [sflag:$0x1] =	stream.indirect.gather [hbm4b:s0+s14], $0x80, s4, s14, $0xb8;
	[tilespmem:$0x1EB80] =	vst v63  }
0x7f: {  	_ = 	snop  }
0x80: {  	[tilespmem:s23], [sflag:$0x2] =	stream.indirect.gather [hbm4b:s0+s14], $0x80, s14, s14, $0xb8;
	[tilespmem:$0x1EB80] =	vst v63  }
0x81: {  	s5 =	simm.s32 $0x100  }
0x82: {  	[tilespmem:s24], [sflag:$0x3] =	stream.indirect.gather [hbm4b:s0+s14], $0x80, s5, s14, $0xb8;
	[tilespmem:$0x1EB80] =	vst v63  }
0x83: {  	_ =	swait.ge [sflag:s25], $0x2000  }
0x84: {  	[sflag:s25] =	ssyncset.done $0x0  }
0x85: {  	s15 =	simm.s32 $0x80;
	[sflag:s25] =	ssyncadd.s32 $0xFFFFE000  }
0x86: {  	[spmem:s3] =	stream.indirect.scatter.add.f32 [tilespmem:s22], [sflag:$0x4], $0x80, s15, s14, $0xb8;
	[tilespmem:$0x1EB80] =	vst v63  }
0x87: {  	_ =	swait.ge [sflag:s30], $0x2000  }
0x88: {  	[sflag:s30] =	ssyncset.done $0x0  }
0x89: {  	s26 =	simm.s32 $0x140;
	[sflag:s30] =	ssyncadd.s32 $0xFFFFE000  }
0x8a: {  	[tilespmem:s22], [sflag:$0x1] =	stream.indirect.gather [hbm4b:s0+s14], $0x80, s26, s14, $0xb8;
	[tilespmem:$0x1EB80] =	vst v63  }
0x8b: {  	_ =	swait.ge [sflag:s1], $0x2000  }
0x8c: {  	[sflag:s1] =	ssyncset.done $0x0  }
0x8d: {  	s11 =	simm.s32 $0xC0;
	[sflag:s1] =	ssyncadd.s32 $0xFFFFE000  }
0x8e: {  	[spmem:s3] =	stream.indirect.scatter.add.f32 [tilespmem:s23], [sflag:$0x5], $0x80, s11, s14, $0xb8;
	[tilespmem:$0x1EB80] =	vst v63  }
0x8f: {  	_ =	swait.ge [sflag:s9], $0x2000  }
0x90: {  	[sflag:s9] =	ssyncset.done $0x0  }
0x91: {  	s12 =	simm.s32 $0x200;
	[sflag:s9] =	ssyncadd.s32 $0xFFFFE000  }
0x92: {  	[tilespmem:s23], [sflag:$0x2] =	stream.indirect.gather [hbm4b:s0+s14], $0x80, s12, s14, $0xb8;
	[tilespmem:$0x1EB80] =	vst v63  }
0x93: {  	_ =	swait.ge [sflag:s17], $0x2000  }
0x94: {  	p3 =	por $0x1, $0x1;
	[sflag:s17] =	ssyncset.done $0x0  }
0x95: {  	s29 =	sand.u32 $0x40, s14;
	s13 =	simm.s32 $0x180;
	[sflag:s17] =	ssyncadd.s32 $0xFFFFE000  }
0x96: {  	[spmem:s3] =	stream.indirect.scatter.add.f32 [tilespmem:s24], [sflag:$0x6], $0x80, s13, s14, $0xb8;
	[tilespmem:$0x1EB80] =	vst v63  }
0x97: {  	s11 =	simm.s32 $0x1;
	s12 =	simm.s32 $0x280;
	_ =	swait.ge [sflag:s18], $0x2000  }
0x98: {  	s11 =	simm.s32 @!p3 $0x0;
	s14 =	sand.u32 $0xFF00, s12;
	[sflag:s18] =	ssyncset.done $0x0  }
0x99: {  	s11 =	sshll.u32 s11, $0x6;
	s2 =	sor.u32 s29, s14;
	[sflag:s18] =	ssyncadd.s32 $0xFFFFE000  }
0x9a: {  	[tilespmem:s24], [sflag:$0x3] =	stream.indirect.gather [hbm4b:s0+s19], $0x80, s2, s19, $0xb8;
	[tilespmem:$0x1EB80] =	vst v63  }
0x9b: {  	s11 =	sadd.s32 $0x500, s11;
	_ =	swait.ge [sflag:s25], $0x2000  }
0x9c: {  	p4 =	por $0x0, $0x0;
	s15 =	sadd.s32 $0xFFFFFC80, s11;
	[sflag:s25] =	ssyncset.done $0x0  }
0x9d: {  	s5 =	sand.u32 $0x40, s13;
	s2 =	sor.u32 $0x80, s15;
	[sflag:s25] =	ssyncadd.s32 $0xFFFFE000  }
0x9e: {  	[spmem:s3] =	stream.indirect.scatter.add.f32 [tilespmem:s22], [sflag:$0x4], $0x80, s2, s19, $0xb8;
	[tilespmem:$0x1EB80] =	vst v63  }
0x9f: {  	s26 =	simm.s32 $0x300;
	s12 =	simm.s32 $0x1;
	_ =	swait.ge [sflag:s30], $0x2000  }
0xa0: {  	s12 =	simm.s32 @!p4 $0x0;
	s2 =	sand.u32 $0xFF00, s26;
	[sflag:s30] =	ssyncset.done $0x0  }
0xa1: {  	s13 =	sshll.u32 s12, $0x6;
	s2 =	sor.u32 s5, s2;
	[sflag:s30] =	ssyncadd.s32 $0xFFFFE000  }
0xa2: {  	[tilespmem:s22], [sflag:$0x1] =	stream.indirect.gather [hbm4b:s0+s19], $0x80, s2, s19, $0xb8;
	[tilespmem:$0x1EB80] =	vst v63  }
0xa3: {  	s14 =	sadd.s32 $0x380, s13;
	_ =	swait.ge [sflag:s1], $0x2000  }
0xa4: {  	s2 =	sadd.s32 $0xFFFFFE80, s14;
	[sflag:s1] =	ssyncset.done $0x0  }
0xa5: {  	s2 =	sor.u32 $0x80, s2;
	[sflag:s1] =	ssyncadd.s32 $0xFFFFE000  }
0xa6: {  	[spmem:s3] =	stream.indirect.scatter.add.f32 [tilespmem:s23], [sflag:$0x5], $0x80, s2, s19, $0xb8;
	[tilespmem:$0x1EB80] =	vst v63  }
0xa7: {  	s15 =	simm.s32 $0x380;
	_ =	swait.ge [sflag:s9], $0x2000  }
0xa8: {  	s26 =	sand.u32 $0xFF00, s15;
	[sflag:s9] =	ssyncset.done $0x0  }
0xa9: {  	p3 =	por !p3, !p3;
	s5 =	sor.u32 s29, s26;
	[sflag:s9] =	ssyncadd.s32 $0xFFFFE000  }
0xaa: {  	[tilespmem:s23], [sflag:$0x2] =	stream.indirect.gather [hbm4b:s0+s19], $0x80, s5, s19, $0xb8;
	[tilespmem:$0x1EB80] =	vst v63  }
0xab: {  	s11 =	sadd.s32 $0xFFFFFD80, s11;
	p4 =	por !p4, !p4;
	_ =	swait.ge [sflag:s17], $0x2000  }
0xac: {  	s12 =	sor.u32 $0x80, s11;
	s29 =	simm.s32 $0x240;
	[sflag:s17] =	ssyncset.done $0x0  }
0xad: {  	s2 =	simm.s32 $0x500;
	s5 =	simm.s32 $0x80;
	[sflag:s17] =	ssyncadd.s32 $0xFFFFE000  }
.LBB2_11:
0xae: {  	[spmem:s3] =	stream.indirect.scatter.add.f32 [tilespmem:s24], [sflag:$0x6], $0x80, s12, s19, $0xb8;
	[tilespmem:$0x1EB80] =	vst v63  }
0xaf: {  	s12 =	smov.u32 s2;
	s13 =	simm.s32 $0x1;
	s14 =	simm.s32 $0x1  }
0xb0: {  	s11 =	sadd.s32 $0x180, s2;
	s13 =	simm.s32 @!p4 $0x0;
	s14 =	simm.s32 @!p3 $0x0  }
0xb1: {  	s15 =	sadd.s32 $0xFFFFFF00, s12;
	s14 =	sshll.u32 s14, $0x6;
	_ =	swait.ge [sflag:s18], $0x2000  }
0xb2: {  	s26 =	sand.u32 $0x40, s5;
	s15 =	sand.u32 $0xFF00, s15;
	[sflag:s18] =	ssyncset.done $0x0  }
0xb3: {  	s15 =	sor.u32 s26, s15;
	s14 =	sadd.s32 s14, s11;
	[sflag:s18] =	ssyncadd.s32 $0xFFFFE000  }
0xb4: {  	[tilespmem:s24], [sflag:$0x3] =	stream.indirect.gather [hbm4b:s0+s19], $0x80, s15, s19, $0xb8;
	[tilespmem:$0x1EB80] =	vst v63  }
0xb5: {  	s13 =	sshll.u32 s13, $0x6;
	s15 =	sadd.s32 $0xFFFFFC80, s14;
	_ =	swait.ge [sflag:s25], $0x2000  }
0xb6: {  	s13 =	sadd.s32 s12, s13;
	s14 =	sadd.s32 $0xFFFFFD80, s14;
	[sflag:s25] =	ssyncset.done $0x0  }
0xb7: {  	s13 =	sadd.s32 $0xFFFFFE80, s13;
	s15 =	sor.u32 $0x80, s15;
	[sflag:s25] =	ssyncadd.s32 $0xFFFFE000  }
0xb8: {  	[spmem:s3] =	stream.indirect.scatter.add.f32 [tilespmem:s22], [sflag:$0x4], $0x80, s15, s19, $0xb8;
	[tilespmem:$0x1EB80] =	vst v63  }
0xb9: {  	p5 =	sne.s32 s2, $0x5000;
	s15 =	sadd.s32 $0xFFFFFF80, s12;
	_ =	swait.ge [sflag:s30], $0x2000  }
0xba: {  	s2 =	sand.u32 $0x40, s29;
	s15 =	sand.u32 $0xFF00, s15;
	[sflag:s30] =	ssyncset.done $0x0  }
0xbb: {  	s2 =	sor.u32 s2, s15;
	[sflag:s30] =	ssyncadd.s32 $0xFFFFE000  }
0xbc: {  	[tilespmem:s22], [sflag:$0x1] =	stream.indirect.gather [hbm4b:s0+s19], $0x80, s2, s19, $0xb8;
	[tilespmem:$0x1EB80] =	vst v63  }
0xbd: {  	_ =	swait.ge [sflag:s1], $0x2000  }
0xbe: {  	[sflag:s1] =	ssyncset.done $0x0  }
0xbf: {  	s2 =	sor.u32 $0x80, s13;
	[sflag:s1] =	ssyncadd.s32 $0xFFFFE000  }
0xc0: {  	[spmem:s3] =	stream.indirect.scatter.add.f32 [tilespmem:s23], [sflag:$0x5], $0x80, s2, s19, $0xb8;
	[tilespmem:$0x1EB80] =	vst v63  }
0xc1: {  	_ =	swait.ge [sflag:s9], $0x2000  }
0xc2: {  	s2 =	sand.u32 $0xFF00, s12;
	[sflag:s9] =	ssyncset.done $0x0  }
.Ltmp6:
0xc3: {  	s2 =	sor.u32 s26, s2;
	[sflag:s9] =	ssyncadd.s32 $0xFFFFE000;
	(pc) =	sbr.rel @p5 .LBB2_11-.Ltmp6, $4  }
0xc4: {  	[tilespmem:s23], [sflag:$0x2] =	stream.indirect.gather [hbm4b:s0+s19], $0x80, s2, s19, $0xb8;
	[tilespmem:$0x1EB80] =	vst v63  }
0xc5: {  	s5 =	sadd.s32 $0x40, s5;
	s29 =	sadd.s32 $0xC0, s29;
	_ =	swait.ge [sflag:s17], $0x2000  }
0xc6: {  	p3 =	por !p3, !p3;
	p4 =	por !p4, !p4;
	[sflag:s17] =	ssyncset.done $0x0  }
0xc7: {  	s12 =	sor.u32 $0x80, s14;
	s2 =	smov.u32 s11;
	[sflag:s17] =	ssyncadd.s32 $0xFFFFE000  }
0xc8: {  	[spmem:s3] =	stream.indirect.scatter.add.f32 [tilespmem:s24], [sflag:$0x6], $0x80, s12, s19, $0xb8;
	[tilespmem:$0x1EB80] =	vst v63  }
0xc9: {  	_ =	swait.ge [sflag:s18], $0x2000  }
0xca: {  	[sflag:s18] =	ssyncset.done $0x0  }
0xcb: {  	s2 =	simm.s32 $0x5040;
	[sflag:s18] =	ssyncadd.s32 $0xFFFFE000  }
0xcc: {  	[tilespmem:s24], [sflag:$0x3] =	stream.indirect.gather [hbm4b:s0+s19], $0x80, s2, s19, $0xb8;
	[tilespmem:$0x1EB80] =	vst v63  }
0xcd: {  	_ =	swait.ge [sflag:s25], $0x2000  }
0xce: {  	[sflag:s25] =	ssyncset.done $0x0  }
0xcf: {  	s14 =	simm.s32 $0x4FC0;
	[sflag:s25] =	ssyncadd.s32 $0xFFFFE000  }
0xd0: {  	[spmem:s3] =	stream.indirect.scatter.add.f32 [tilespmem:s22], [sflag:$0x4], $0x80, s14, s19, $0xb8;
	[tilespmem:$0x1EB80] =	vst v63  }
0xd1: {  	_ =	swait.ge [sflag:s1], $0x2000  }
0xd2: {  	[sflag:s1] =	ssyncset.done $0x0  }
0xd3: {  	s15 =	simm.s32 $0x5080;
	[sflag:s1] =	ssyncadd.s32 $0xFFFFE000  }
0xd4: {  	[spmem:s3] =	stream.indirect.scatter.add.f32 [tilespmem:s23], [sflag:$0x5], $0x80, s15, s19, $0xb8;
	[tilespmem:$0x1EB80] =	vst v63  }
0xd5: {  	_ =	swait.ge [sflag:s17], $0x2000  }
0xd6: {  	[sflag:s17] =	ssyncset.done $0x0  }
0xd7: {  	s26 =	simm.s32 $0x50C0;
	[sflag:s17] =	ssyncadd.s32 $0xFFFFE000  }
0xd8: {  	[spmem:s3] =	stream.indirect.scatter.add.f32 [tilespmem:s24], [sflag:$0x6], $0x80, s26, s19, $0xb8;
	[tilespmem:$0x1EB80] =	vst v63  }
0xd9: {  	_ =	swait.ge [sflag:s30], $0x2000  }
0xda: {  	[sflag:s30] =	ssyncset.done $0x0  }
0xdb: {  	[sflag:s30] =	ssyncadd.s32 $0xFFFFE000  }
0xdc: {  	_ =	swait.ge [sflag:s9], $0x2000  }
0xdd: {  	[sflag:s9] =	ssyncset.done $0x0  }
0xde: {  	[sflag:s9] =	ssyncadd.s32 $0xFFFFE000  }
0xdf: {  	_ =	swait.ge [sflag:s18], $0x2000  }
0xe0: {  	[sflag:s18] =	ssyncset.done $0x0  }
0xe1: {  	[sflag:s18] =	ssyncadd.s32 $0xFFFFE000  }
0xe2: {  	[bflag:$0x0] =	sbarrier.arrive $0xFFFF  }
0xe3: {  	s29 =	rddreg [dreg:$0xb]  }
0xe4: {  	[hbm:s29], [sflag:s6] =	dma.local [spmem:s16], $0x2700  }
0xe5: {  	_ =	swait.ge [sflag:s20], $0x2700  }
0xe6: {  	[sflag:s20] =	ssyncset.done $0x0  }
0xe7: {  	s2 =	rddreg [dreg:$0xc];
	[sflag:s20] =	ssyncadd.s32 $0xFFFFD900  }
0xe8: {  	[hbm:s2], [sflag:s6] =	dma.local @!p0 [spmem:s10], $0x100  }
0xe9: {  	s2 =	simm.s32 @!p0 $0x8  }
0xea: {  	_ =	swait.ge @!p0 [sflag:s2], $0x100  }
0xeb: {  	s31 =	sadd.s32 $0x1, s31;
	s5 =	rddreg [dreg:$0xd]  }
0xec: {  	p3 =	sne.s32 s31, s5  }
.Ltmp7:
0xed: {  	_ = 	snop;
	(pc) =	sbr.rel @p3 .LBB2_1-.Ltmp7, $3  }
0xee: {  	_ =	sdelay $0x1  }
0xef: {  	[sflag:s2] =	ssyncset.done @!p0 $0x0  }
0xf0: {  	[sflag:s2] =	ssyncadd.s32 @!p0 $0xFFFFFF00  }
0xf1: {  	_ =	sfence.sel $0x180000  }
0xf2: {  	[bflag:$0x0] =	sbarrier.arrive $0xFFFF  }
0xf3: {  	_ =	strace $0x90000047  }
0xf4: {  	[bflag:$0x2] =	sbarrier.arrive $0xFFFF  }
0xf5: {  	s0 =	rddreg [dreg:$0x5]  }
0xf6: {  	s0 =	sadd.s32 @!p0 $0x100000, s0  }
0xf7: {  	[sflag:s0] =	ssyncadd.tile.s32 @!p0 $0x1;
	_ =	shalt  }
.Lfunc_end2:
_tile_overlayer_lowered:
.L_overlay_start_2:
0xf8: {  	(tag) =	ssettag $0x2  }
0xf9: {  	s0 =	rddreg [dreg:$0x0];
	s2 =	stileid.u32  }
0xfa: {  	s1 =	rddreg [dreg:$0x1];
	p0 =	sne.s32 s2, $0x0  }
0xfb: {  	s3 =	rddreg [dreg:$0x2];
	[bflag:$0x3] =	sbarrier.arrive $0xFFFF;
	s2 =	simm.s32 @!p0 $0x1C08  }
0xfc: {  	[timem:s3], [sflag:s2] =	dma.local @!p0 [hbm:s0], s1  }
0xfd: {  	s0 =	simm.s32 @!p0 $0x8  }
0xfe: {  	_ =	swait.ge @!p0 [sflag:s0], s1  }
0xff: {  	s1 =	ssub.s32 @!p0 $0x0, s1;
	[sflag:s0] =	ssyncset.done @!p0 $0x0  }
0x100: {  	[sflag:s0] =	ssyncadd.s32 @!p0 s1  }
0x101: {  	[bflag:$0x3] =	sbarrier.arrive $0xFFFF  }
0x102: {  	_ =	shalt  }

</sc_bundles>
